<compile_context>
chip_gen: v7x
topology: tpu7x:2x2x1
jax: 0.10.2.dev20260603
libtpu: 0.0.44.dev20260713+nightly
codegen_flags: <defaults>
</compile_context>

<pallas_src>
import functools

import jax
import jax.numpy as jnp
from jax import lax
from jax.experimental import pallas as pl
from jax.experimental.pallas import tpu as pltpu
from jax.experimental.pallas import tpu_sc as plsc

N, E, D, H, G = 10000, 320000, 128, 128, 64
NC, NS = 2, 16
NW = NC * NS
EPW = E // NW
CH = 80
NCHUNK = EPW // CH
EPWP = EPW
NPAD = 10240
RPW = NPAD // NS
BN = 2000
NBLK = N // BN


def _segsum_sc(x, srcf, dste, zeros):
    mesh = plsc.VectorSubcoreMesh(core_axis_name="c", subcore_axis_name="s")

    @functools.partial(
        pl.kernel,
        out_type=jax.ShapeDtypeStruct((NC, NPAD, D), jnp.float32),
        mesh=mesh,
        scratch_types=[
            pltpu.VMEM((EPWP,), jnp.int32),
            pltpu.VMEM((NCHUNK, CH), jnp.int32),
            pltpu.VMEM((CH, D), jnp.float32),
            pltpu.VMEM((CH, D), jnp.float32),
            pltpu.VMEM_SHARED((NPAD, D), jnp.float32),
            pltpu.SemaphoreType.DMA,
            pltpu.SemaphoreType.DMA,
        ],
    )
    def k(x_hbm, src_hbm, dst_hbm, z_hbm, out_hbm, src_v, dst_v, rows0_v, rows1_v,
          aggr_s, sem0, sem1):
        cid = lax.axis_index("c")
        sid = lax.axis_index("s")
        w = cid * NS + sid
        pltpu.sync_copy(src_hbm.at[w], src_v)
        pltpu.sync_copy(dst_hbm.at[w], dst_v)
        pltpu.sync_copy(z_hbm.at[pl.ds(sid * RPW, RPW)],
                        aggr_s.at[pl.ds(sid * RPW, RPW)])
        plsc.subcore_barrier()

        def start(j, rows_v, sem):
            pltpu.make_async_copy(
                x_hbm.at[src_v.at[pl.ds(j * CH, CH)]], rows_v, sem).start()

        def wait(j, rows_v, sem):
            pltpu.make_async_copy(
                x_hbm.at[src_v.at[pl.ds(j * CH, CH)]], rows_v, sem).wait()

        def scat(j, rows_v):
            pltpu.sync_copy(rows_v, aggr_s.at[dst_v.at[j]], add=True)

        start(0, rows0_v, sem0)

        def body(t, carry):
            j = 2 * t
            wait(j, rows0_v, sem0)

            @pl.when(j + 1 < NCHUNK)
            def _():
                start(j + 1, rows1_v, sem1)

            scat(j, rows0_v)

            @pl.when(j + 1 < NCHUNK)
            def _():
                wait(j + 1, rows1_v, sem1)

                @pl.when(j + 2 < NCHUNK)
                def _():
                    start(j + 2, rows0_v, sem0)

                scat(j + 1, rows1_v)

            return carry

        lax.fori_loop(0, (NCHUNK + 1) // 2, body, 0)
        plsc.subcore_barrier()
        pltpu.sync_copy(aggr_s.at[pl.ds(sid * RPW, RPW)],
                        out_hbm.at[cid, pl.ds(sid * RPW, RPW)])

    return k(x, srcf, dste, zeros)


def _dotT(a, w):
    return lax.dot_general(a, w, (((1,), (1,)), ((), ())),
                           preferred_element_type=jnp.float32)


def _layer_tc(p, x, w_rel, b_rel, w_root):
    def body(p0_r, p1_r, x_r, wr_r, br_r, wo_r, o_r):
        a = p0_r[0] + p1_r[0]
        h = _dotT(a, wr_r[...]) + _dotT(x_r[...], wo_r[...]) + br_r[...]
        o_r[...] = jnp.maximum(h, 0.0)

    full = lambda i: (0, 0)
    return pl.pallas_call(
        body,
        grid=(NBLK,),
        in_specs=[
            pl.BlockSpec((1, BN, D), lambda i: (0, i, 0)),
            pl.BlockSpec((1, BN, D), lambda i: (1, i, 0)),
            pl.BlockSpec((BN, D), lambda i: (i, 0)),
            pl.BlockSpec((H, D), full),
            pl.BlockSpec((1, H), full),
            pl.BlockSpec((H, D), full),
        ],
        out_specs=pl.BlockSpec((BN, H), lambda i: (i, 0)),
        out_shape=jax.ShapeDtypeStruct((N, H), jnp.float32),
    )(p, p, x, w_rel, b_rel, w_root)


def _final_tc(p, h1, w_rel, b_rel, w_root, batch3d,
              w1m, w1a, b1, w2t, b2):
    def body(p0_r, p1_r, h_r, wr_r, br_r, wo_r, bt_r,
             w1m_r, w1a_r, b1_r, w2_r, b2_r, o_r, accp, accc):
        i = pl.program_id(0)

        @pl.when(i == 0)
        def _():
            accp[...] = jnp.zeros_like(accp)
            accc[...] = jnp.zeros_like(accc)

        a = p0_r[0] + p1_r[0]
        h2 = jnp.maximum(_dotT(a, wr_r[...]) + _dotT(h_r[...], wo_r[...])
                         + br_r[...], 0.0)
        b = bt_r[...].reshape(1, BN)
        gi = lax.broadcasted_iota(jnp.int32, (G, BN), 0)
        maskf = (gi == b).astype(jnp.float32)
        accp[...] += lax.dot_general(maskf, h2, (((1,), (0,)), ((), ())),
                                     precision=lax.Precision.HIGHEST,
                                     preferred_element_type=jnp.float32)
        accc[...] = accc[...] + jnp.sum(maskf, axis=1, keepdims=True)

        @pl.when(i == NBLK - 1)
        def _():
            addp = accp[...]
            meanp = addp / jnp.maximum(accc[...], 1.0)
            r = jnp.maximum(_dotT(meanp, w1m_r[...]) + _dotT(addp, w1a_r[...])
                            + b1_r[...], 0.0)
            o_r[...] = lax.dot_general(r, w2_r[...], (((1,), (0,)), ((), ())),
                                       preferred_element_type=jnp.float32) \
                       + b2_r[...]

    full = lambda i: (0, 0)
    return pl.pallas_call(
        body,
        grid=(NBLK,),
        in_specs=[
            pl.BlockSpec((1, BN, D), lambda i: (0, i, 0)),
            pl.BlockSpec((1, BN, D), lambda i: (1, i, 0)),
            pl.BlockSpec((BN, H), lambda i: (i, 0)),
            pl.BlockSpec((H, D), full),
            pl.BlockSpec((1, H), full),
            pl.BlockSpec((H, D), full),
            pl.BlockSpec((1, 1, BN), lambda i: (i, 0, 0)),
            pl.BlockSpec((H, H), full),
            pl.BlockSpec((H, H), full),
            pl.BlockSpec((1, H), full),
            pl.BlockSpec((H, 1), full),
            pl.BlockSpec((1, 1), full),
        ],
        out_specs=pl.BlockSpec((G, 1), full),
        out_shape=jax.ShapeDtypeStruct((G, 1), jnp.float32),
        scratch_shapes=[
            pltpu.VMEM((G, H), jnp.float32),
            pltpu.VMEM((G, H), jnp.float32),
        ],
    )(p, p, h1, w_rel, b_rel, w_root, batch3d, w1m, w1a, b1, w2t, b2)


def kernel(x, edge_index, batch, W_rel1, b_rel1, W_root1,
           W_rel2, b_rel2, W_root2, Wh1, bh1, Wh2, bh2):
    srcf = edge_index[0].reshape(NW, EPW)
    dste = edge_index[1].reshape(NW, NCHUNK, CH)
    zeros = jnp.zeros((NPAD, D), jnp.float32)
    batch3d = batch.reshape(NBLK, 1, BN)

    p = _segsum_sc(x, srcf, dste, zeros)
    h1 = _layer_tc(p, x, W_rel1, b_rel1.reshape(1, H), W_root1)
    q = _segsum_sc(h1, srcf, dste, zeros)
    out = _final_tc(q, h1, W_rel2, b_rel2.reshape(1, H), W_root2,
                    batch3d, Wh1[:, :H], Wh1[:, H:], bh1.reshape(1, H),
                    Wh2.reshape(H, 1), bh2.reshape(1, 1))
    return out.reshape(G)

# --- scband reference (transcript-rebuilt; emitter-appended) ---
"""Pipeline reference for scband-tiny-graph-decoder-52295521796447 (READ-ONLY COPY).

The authoritative reference and input builder live on the scoring server;
editing this copy changes nothing except your own understanding.
"""

import jax, jax.numpy as jnp
import numpy as np

N, E, D, H, G = 10000, 320000, 128, 128, 64

def setup_inputs(seed: int = 0) -> dict:
    key = jax.random.key(seed)
    ks = jax.random.split(key, 16)
    s = 0.05
    x = jax.random.normal(ks[0], (N, D), jnp.float32)
    edge_index = jax.random.randint(ks[1], (2, E), 0, N, jnp.int32)
    batch = jnp.sort(jax.random.randint(ks[2], (N,), 0, G, jnp.int32))
    W_rel1 = jax.random.normal(ks[3], (H, D), jnp.float32) * s
    b_rel1 = jnp.zeros((H,), jnp.float32)
    W_root1 = jax.random.normal(ks[4], (H, D), jnp.float32) * s
    W_rel2 = jax.random.normal(ks[5], (H, H), jnp.float32) * s
    b_rel2 = jnp.zeros((H,), jnp.float32)
    W_root2 = jax.random.normal(ks[6], (H, H), jnp.float32) * s
    Wh1 = jax.random.normal(ks[7], (H, 2 * H), jnp.float32) * s
    bh1 = jnp.zeros((H,), jnp.float32)
    Wh2 = jax.random.normal(ks[8], (1, H), jnp.float32) * s
    bh2 = jnp.zeros((1,), jnp.float32)
    return {"x": x, "edge_index": edge_index, "batch": batch,
            "W_rel1": W_rel1, "b_rel1": b_rel1, "W_root1": W_root1,
            "W_rel2": W_rel2, "b_rel2": b_rel2, "W_root2": W_root2,
            "Wh1": Wh1, "bh1": bh1, "Wh2": Wh2, "bh2": bh2}

def _graph_conv(x, src, dst, W_rel, b_rel, W_root):
    msgs = jnp.take(x, src, axis=0)
    aggr = jax.ops.segment_sum(msgs, dst, num_segments=N)
    return aggr @ W_rel.T + b_rel + x @ W_root.T

def reference(x, edge_index, batch, W_rel1, b_rel1, W_root1, W_rel2, b_rel2, W_root2, Wh1, bh1, Wh2, bh2):
    src = edge_index[0]
    dst = edge_index[1]
    h = jax.nn.relu(_graph_conv(x, src, dst, W_rel1, b_rel1, W_root1))
    h = jax.nn.relu(_graph_conv(h, src, dst, W_rel2, b_rel2, W_root2))
    add_pool = jax.ops.segment_sum(h, batch, num_segments=G)
    counts = jax.ops.segment_sum(jnp.ones((N,), jnp.float32), batch, num_segments=G)
    mean_pool = add_pool / jnp.maximum(counts, 1.0)[:, None]
    g = jnp.concatenate([mean_pool, add_pool], axis=1)
    out = jax.nn.relu(g @ Wh1.T + bh1) @ Wh2.T + bh2
    return out.squeeze(-1)

if __name__ == "__main__":
    import jax
    _d = setup_inputs()
    print(jax.jit(kernel)(*tuple(_d.values())))

</pallas_src>

<mosaic_0001>
#map = affine_map<(d0, d1) -> (0, 0)>
#map1 = affine_map<(d0, d1) -> (0, 0, 0)>
module attributes {stable_mosaic.version = 14 : i64} {
  func.func @k(%arg0: i32, %arg1: i32, %arg2: memref<10000x128xf32, #tpu.memory_space<hbm>>, %arg3: memref<32x10000xi32, #tpu.memory_space<hbm>>, %arg4: memref<32x125x80xi32, #tpu.memory_space<hbm>>, %arg5: memref<10240x128xf32, #tpu.memory_space<hbm>>, %arg6: memref<2x10240x128xf32, #tpu.memory_space<hbm>>, %arg7: memref<10000xi32, #tpu.memory_space<vmem>>, %arg8: memref<125x80xi32, #tpu.memory_space<vmem>>, %arg9: memref<80x128xf32, #tpu.memory_space<vmem>>, %arg10: memref<80x128xf32, #tpu.memory_space<vmem>>, %arg11: memref<10240x128xf32, #tpu.memory_space<vmem_shared>>, %arg12: memref<!tpu.dma_semaphore, #tpu.memory_space<semaphore_mem>>, %arg13: memref<!tpu.dma_semaphore, #tpu.memory_space<semaphore_mem>>) attributes {dimension_semantics = [#tpu.dimension_semantics<core_parallel>, #tpu.dimension_semantics<subcore_parallel>], iteration_bounds = array<i64: 2, 16>, scalar_prefetch = 0 : i64, scratch_operands = 7 : i64, tpu.core_type = #tpu.core_type<sc_vector_subcore>, window_params = [{transform_indices = #map}, {transform_indices = #map}, {transform_indices = #map1}, {transform_indices = #map}, {transform_indices = #map1}]} {
    %mul3A = arith.constant 16 : i32
    %mul3A_0 = arith.muli %arg0, %mul3A : i32
    %add3A = arith.addi %mul3A_0, %arg1 : i32
    "tpu.region"() ({
      %run_scoped3A = tpu.sem_alloc : memref<!tpu.dma_semaphore, #tpu.memory_space<semaphore_mem>>
      %dma_start3A_19 = arith.constant 0 : i32
      %dma_start3A_20 = tpu.memref_slice %arg3[%add3A, %dma_start3A_19] : memref<32x10000xi32, #tpu.memory_space<hbm>> -> memref<1x10000xi32, #tpu.memory_space<hbm>>
      %dma_start3A_21 = tpu.memref_squeeze %dma_start3A_20 : memref<1x10000xi32, #tpu.memory_space<hbm>> -> memref<10000xi32, #tpu.memory_space<hbm>>
      %dma_start3A_22 = arith.constant 0 : i32
      %dma_start3A_23 = tpu.memref_slice %arg3[%add3A, %dma_start3A_22] : memref<32x10000xi32, #tpu.memory_space<hbm>> -> memref<1x10000xi32, #tpu.memory_space<hbm>>
      %dma_start3A_24 = tpu.memref_squeeze %dma_start3A_23 : memref<1x10000xi32, #tpu.memory_space<hbm>> -> memref<10000xi32, #tpu.memory_space<hbm>>
      tpu.enqueue_dma source(%dma_start3A_24 : memref<10000xi32, #tpu.memory_space<hbm>>) target(%arg7 : memref<10000xi32, #tpu.memory_space<vmem>>) target_semaphore(%run_scoped3A : memref<!tpu.dma_semaphore, #tpu.memory_space<semaphore_mem>>)
      %dma_wait3A = arith.constant 0 : i32
      %dma_wait3A_25 = tpu.memref_slice %arg3[%add3A, %dma_wait3A] : memref<32x10000xi32, #tpu.memory_space<hbm>> -> memref<1x10000xi32, #tpu.memory_space<hbm>>
      %dma_wait3A_26 = tpu.memref_squeeze %dma_wait3A_25 : memref<1x10000xi32, #tpu.memory_space<hbm>> -> memref<10000xi32, #tpu.memory_space<hbm>>
      %dma_wait3A_27 = arith.constant 0 : i32
      %dma_wait3A_28 = tpu.memref_slice %arg3[%add3A, %dma_wait3A_27] : memref<32x10000xi32, #tpu.memory_space<hbm>> -> memref<1x10000xi32, #tpu.memory_space<hbm>>
      %dma_wait3A_29 = tpu.memref_squeeze %dma_wait3A_28 : memref<1x10000xi32, #tpu.memory_space<hbm>> -> memref<10000xi32, #tpu.memory_space<hbm>>
      tpu.wait_dma2 semaphore(%run_scoped3A : memref<!tpu.dma_semaphore, #tpu.memory_space<semaphore_mem>>) src(%dma_wait3A_29 : memref<10000xi32, #tpu.memory_space<hbm>>) dst(%arg7 : memref<10000xi32, #tpu.memory_space<vmem>>)
      tpu.yield
    }) : () -> ()
    "tpu.region"() ({
      %run_scoped3A = tpu.sem_alloc : memref<!tpu.dma_semaphore, #tpu.memory_space<semaphore_mem>>
      %dma_start3A_19 = arith.constant 0 : i32
      %dma_start3A_20 = arith.constant 0 : i32
      %dma_start3A_21 = tpu.memref_slice %arg4[%add3A, %dma_start3A_19, %dma_start3A_20] : memref<32x125x80xi32, #tpu.memory_space<hbm>> -> memref<1x125x80xi32, #tpu.memory_space<hbm>>
      %dma_start3A_22 = tpu.memref_squeeze %dma_start3A_21 : memref<1x125x80xi32, #tpu.memory_space<hbm>> -> memref<125x80xi32, #tpu.memory_space<hbm>>
      %dma_start3A_23 = arith.constant 0 : i32
      %dma_start3A_24 = arith.constant 0 : i32
      %dma_start3A_25 = tpu.memref_slice %arg4[%add3A, %dma_start3A_23, %dma_start3A_24] : memref<32x125x80xi32, #tpu.memory_space<hbm>> -> memref<1x125x80xi32, #tpu.memory_space<hbm>>
      %dma_start3A_26 = tpu.memref_squeeze %dma_start3A_25 : memref<1x125x80xi32, #tpu.memory_space<hbm>> -> memref<125x80xi32, #tpu.memory_space<hbm>>
      tpu.enqueue_dma source(%dma_start3A_26 : memref<125x80xi32, #tpu.memory_space<hbm>>) target(%arg8 : memref<125x80xi32, #tpu.memory_space<vmem>>) target_semaphore(%run_scoped3A : memref<!tpu.dma_semaphore, #tpu.memory_space<semaphore_mem>>)
      %dma_wait3A = arith.constant 0 : i32
      %dma_wait3A_27 = arith.constant 0 : i32
      %dma_wait3A_28 = tpu.memref_slice %arg4[%add3A, %dma_wait3A, %dma_wait3A_27] : memref<32x125x80xi32, #tpu.memory_space<hbm>> -> memref<1x125x80xi32, #tpu.memory_space<hbm>>
      %dma_wait3A_29 = tpu.memref_squeeze %dma_wait3A_28 : memref<1x125x80xi32, #tpu.memory_space<hbm>> -> memref<125x80xi32, #tpu.memory_space<hbm>>
      %dma_wait3A_30 = arith.constant 0 : i32
      %dma_wait3A_31 = arith.constant 0 : i32
      %dma_wait3A_32 = tpu.memref_slice %arg4[%add3A, %dma_wait3A_30, %dma_wait3A_31] : memref<32x125x80xi32, #tpu.memory_space<hbm>> -> memref<1x125x80xi32, #tpu.memory_space<hbm>>
      %dma_wait3A_33 = tpu.memref_squeeze %dma_wait3A_32 : memref<1x125x80xi32, #tpu.memory_space<hbm>> -> memref<125x80xi32, #tpu.memory_space<hbm>>
      tpu.wait_dma2 semaphore(%run_scoped3A : memref<!tpu.dma_semaphore, #tpu.memory_space<semaphore_mem>>) src(%dma_wait3A_33 : memref<125x80xi32, #tpu.memory_space<hbm>>) dst(%arg8 : memref<125x80xi32, #tpu.memory_space<vmem>>)
      tpu.yield
    }) : () -> ()
    %mul3A_1 = arith.constant 640 : i32
    %mul3A_2 = arith.muli %arg1, %mul3A_1 : i32
    %mul3A_3 = arith.constant 640 : i32
    %mul3A_4 = arith.muli %arg1, %mul3A_3 : i32
    "tpu.region"() ({
      %run_scoped3A = tpu.sem_alloc : memref<!tpu.dma_semaphore, #tpu.memory_space<semaphore_mem>>
      %dma_start3A_19 = arith.constant 0 : i32
      %dma_start3A_20 = tpu.memref_slice %arg11[%mul3A_4, %dma_start3A_19] : memref<10240x128xf32, #tpu.memory_space<vmem_shared>> -> memref<640x128xf32, #tpu.memory_space<vmem_shared>>
      %dma_start3A_21 = arith.constant 0 : i32
      %dma_start3A_22 = tpu.memref_slice %arg5[%mul3A_2, %dma_start3A_21] : memref<10240x128xf32, #tpu.memory_space<hbm>> -> memref<640x128xf32, #tpu.memory_space<hbm>>
      tpu.enqueue_dma source(%dma_start3A_22 : memref<640x128xf32, #tpu.memory_space<hbm>>) target(%dma_start3A_20 : memref<640x128xf32, #tpu.memory_space<vmem_shared>>) target_semaphore(%run_scoped3A : memref<!tpu.dma_semaphore, #tpu.memory_space<semaphore_mem>>)
      %dma_wait3A = arith.constant 0 : i32
      %dma_wait3A_23 = tpu.memref_slice %arg11[%mul3A_4, %dma_wait3A] : memref<10240x128xf32, #tpu.memory_space<vmem_shared>> -> memref<640x128xf32, #tpu.memory_space<vmem_shared>>
      %dma_wait3A_24 = arith.constant 0 : i32
      %dma_wait3A_25 = tpu.memref_slice %arg5[%mul3A_2, %dma_wait3A_24] : memref<10240x128xf32, #tpu.memory_space<hbm>> -> memref<640x128xf32, #tpu.memory_space<hbm>>
      tpu.wait_dma2 semaphore(%run_scoped3A : memref<!tpu.dma_semaphore, #tpu.memory_space<semaphore_mem>>) src(%dma_wait3A_25 : memref<640x128xf32, #tpu.memory_space<hbm>>) dst(%dma_wait3A_23 : memref<640x128xf32, #tpu.memory_space<vmem_shared>>)
      tpu.yield
    }) : () -> ()
    %barrier3A = arith.constant 0 : index
    tpu.barrier barrier_id(%barrier3A)
    %dma_start3A = arith.constant 0 : i32
    %dma_start3A_5 = tpu.memref_slice %arg7[%dma_start3A] : memref<10000xi32, #tpu.memory_space<vmem>> -> memref<80xi32, #tpu.memory_space<vmem>>
    %dma_start3A_6 = arith.constant 0 : i32
    %dma_start3A_7 = arith.constant 0 : i32
    %dma_start3A_8 = tpu.memref_slice %arg2[%dma_start3A_6, %dma_start3A_7] : memref<10000x128xf32, #tpu.memory_space<hbm>> -> memref<10000x128xf32, #tpu.memory_space<hbm>>
    tpu.enqueue_indirect_dma source(%dma_start3A_8 : memref<10000x128xf32, #tpu.memory_space<hbm>>) target(%arg9 : memref<80x128xf32, #tpu.memory_space<vmem>>) offsets(%dma_start3A_5 : memref<80xi32, #tpu.memory_space<vmem>>) semaphore(%arg12 : memref<!tpu.dma_semaphore, #tpu.memory_space<semaphore_mem>>)
    %scan3A = arith.constant 0 : i32
    %scan3A_9 = arith.constant 0 : i32
    %scan3A_10 = arith.constant 63 : i32
    %scan3A_11 = arith.addi %scan3A_9, %scan3A_10 : i32
    %scan3A_12 = arith.constant 1 : i32
    scf.for %scan3A_19 = %scan3A_9 to %scan3A_11 step %scan3A_12  : i32 {
      %mul3A_20 = arith.constant 2 : i32
      %mul3A_21 = arith.muli %mul3A_20, %scan3A_19 : i32
      %mul3A_22 = arith.constant 80 : i32
      %mul3A_23 = arith.muli %mul3A_21, %mul3A_22 : i32
      %dma_wait3A = tpu.memref_slice %arg7[%mul3A_23] : memref<10000xi32, #tpu.memory_space<vmem>> -> memref<80xi32, #tpu.memory_space<vmem>>
      %dma_wait3A_24 = arith.constant 0 : i32
      %dma_wait3A_25 = arith.constant 0 : i32
      %dma_wait3A_26 = tpu.memref_slice %arg2[%dma_wait3A_24, %dma_wait3A_25] : memref<10000x128xf32, #tpu.memory_space<hbm>> -> memref<10000x128xf32, #tpu.memory_space<hbm>>
      tpu.wait_indirect_dma semaphore(%arg12 : memref<!tpu.dma_semaphore, #tpu.memory_space<semaphore_mem>>) src(%dma_wait3A_26 : memref<10000x128xf32, #tpu.memory_space<hbm>>) dst(%arg9 : memref<80x128xf32, #tpu.memory_space<vmem>>)
      %add3A_27 = arith.constant 1 : i32
      %add3A_28 = arith.addi %mul3A_21, %add3A_27 : i32
      %lt3A = arith.constant 125 : i32
      %lt3A_29 = arith.cmpi slt, %add3A_28, %lt3A : i32
      %convert_element_type3A = arith.extui %lt3A_29 : i1 to i32
      %cond3A = arith.constant 0 : i32
      %cond3A_30 = arith.cmpi ne, %convert_element_type3A, %cond3A : i32
      scf.if %cond3A_30 {
        %add3A_38 = arith.constant 1 : i32
        %add3A_39 = arith.addi %mul3A_21, %add3A_38 : i32
        %mul3A_40 = arith.constant 80 : i32
        %mul3A_41 = arith.muli %add3A_39, %mul3A_40 : i32
        %dma_start3A_42 = tpu.memref_slice %arg7[%mul3A_41] : memref<10000xi32, #tpu.memory_space<vmem>> -> memref<80xi32, #tpu.memory_space<vmem>>
        %dma_start3A_43 = arith.constant 0 : i32
        %dma_start3A_44 = arith.constant 0 : i32
        %dma_start3A_45 = tpu.memref_slice %arg2[%dma_start3A_43, %dma_start3A_44] : memref<10000x128xf32, #tpu.memory_space<hbm>> -> memref<10000x128xf32, #tpu.memory_space<hbm>>
        tpu.enqueue_indirect_dma source(%dma_start3A_45 : memref<10000x128xf32, #tpu.memory_space<hbm>>) target(%arg10 : memref<80x128xf32, #tpu.memory_space<vmem>>) offsets(%dma_start3A_42 : memref<80xi32, #tpu.memory_space<vmem>>) semaphore(%arg13 : memref<!tpu.dma_semaphore, #tpu.memory_space<semaphore_mem>>)
      } else {
      }
      "tpu.region"() ({
        %run_scoped3A = tpu.sem_alloc : memref<!tpu.dma_semaphore, #tpu.memory_space<semaphore_mem>>
        %dma_start3A_38 = arith.constant 0 : i32
        %dma_start3A_39 = tpu.memref_slice %arg8[%mul3A_21, %dma_start3A_38] : memref<125x80xi32, #tpu.memory_space<vmem>> -> memref<1x80xi32, #tpu.memory_space<vmem>>
        %dma_start3A_40 = tpu.memref_squeeze %dma_start3A_39 : memref<1x80xi32, #tpu.memory_space<vmem>> -> memref<80xi32, #tpu.memory_space<vmem>>
        %dma_start3A_41 = arith.constant 0 : i32
        %dma_start3A_42 = arith.constant 0 : i32
        %dma_start3A_43 = tpu.memref_slice %arg11[%dma_start3A_41, %dma_start3A_42] : memref<10240x128xf32, #tpu.memory_space<vmem_shared>> -> memref<10240x128xf32, #tpu.memory_space<vmem_shared>>
        tpu.enqueue_indirect_dma source(%arg9 : memref<80x128xf32, #tpu.memory_space<vmem>>) target(%dma_start3A_43 : memref<10240x128xf32, #tpu.memory_space<vmem_shared>>) offsets(%dma_start3A_40 : memref<80xi32, #tpu.memory_space<vmem>>) semaphore(%run_scoped3A : memref<!tpu.dma_semaphore, #tpu.memory_space<semaphore_mem>>) {add = true}
        %dma_wait3A_44 = arith.constant 0 : i32
        %dma_wait3A_45 = tpu.memref_slice %arg8[%mul3A_21, %dma_wait3A_44] : memref<125x80xi32, #tpu.memory_space<vmem>> -> memref<1x80xi32, #tpu.memory_space<vmem>>
        %dma_wait3A_46 = tpu.memref_squeeze %dma_wait3A_45 : memref<1x80xi32, #tpu.memory_space<vmem>> -> memref<80xi32, #tpu.memory_space<vmem>>
        %dma_wait3A_47 = arith.constant 0 : i32
        %dma_wait3A_48 = arith.constant 0 : i32
        %dma_wait3A_49 = tpu.memref_slice %arg11[%dma_wait3A_47, %dma_wait3A_48] : memref<10240x128xf32, #tpu.memory_space<vmem_shared>> -> memref<10240x128xf32, #tpu.memory_space<vmem_shared>>
        tpu.wait_indirect_dma semaphore(%run_scoped3A : memref<!tpu.dma_semaphore, #tpu.memory_space<semaphore_mem>>) src(%arg9 : memref<80x128xf32, #tpu.memory_space<vmem>>) dst(%dma_wait3A_49 : memref<10240x128xf32, #tpu.memory_space<vmem_shared>>)
        tpu.yield
      }) : () -> ()
      %add3A_31 = arith.constant 1 : i32
      %add3A_32 = arith.addi %mul3A_21, %add3A_31 : i32
      %lt3A_33 = arith.constant 125 : i32
      %lt3A_34 = arith.cmpi slt, %add3A_32, %lt3A_33 : i32
      %convert_element_type3A_35 = arith.extui %lt3A_34 : i1 to i32
      %cond3A_36 = arith.constant 0 : i32
      %cond3A_37 = arith.cmpi ne, %convert_element_type3A_35, %cond3A_36 : i32
      scf.if %cond3A_37 {
        %add3A_38 = arith.constant 1 : i32
        %add3A_39 = arith.addi %mul3A_21, %add3A_38 : i32
        %mul3A_40 = arith.constant 80 : i32
        %mul3A_41 = arith.muli %add3A_39, %mul3A_40 : i32
        %dma_wait3A_42 = tpu.memref_slice %arg7[%mul3A_41] : memref<10000xi32, #tpu.memory_space<vmem>> -> memref<80xi32, #tpu.memory_space<vmem>>
        %dma_wait3A_43 = arith.constant 0 : i32
        %dma_wait3A_44 = arith.constant 0 : i32
        %dma_wait3A_45 = tpu.memref_slice %arg2[%dma_wait3A_43, %dma_wait3A_44] : memref<10000x128xf32, #tpu.memory_space<hbm>> -> memref<10000x128xf32, #tpu.memory_space<hbm>>
        tpu.wait_indirect_dma semaphore(%arg13 : memref<!tpu.dma_semaphore, #tpu.memory_space<semaphore_mem>>) src(%dma_wait3A_45 : memref<10000x128xf32, #tpu.memory_space<hbm>>) dst(%arg10 : memref<80x128xf32, #tpu.memory_space<vmem>>)
        %add3A_46 = arith.constant 2 : i32
        %add3A_47 = arith.addi %mul3A_21, %add3A_46 : i32
        %lt3A_48 = arith.constant 125 : i32
        %lt3A_49 = arith.cmpi slt, %add3A_47, %lt3A_48 : i32
        %convert_element_type3A_50 = arith.extui %lt3A_49 : i1 to i32
        %cond3A_51 = arith.constant 0 : i32
        %cond3A_52 = arith.cmpi ne, %convert_element_type3A_50, %cond3A_51 : i32
        scf.if %cond3A_52 {
          %add3A_55 = arith.constant 2 : i32
          %add3A_56 = arith.addi %mul3A_21, %add3A_55 : i32
          %mul3A_57 = arith.constant 80 : i32
          %mul3A_58 = arith.muli %add3A_56, %mul3A_57 : i32
          %dma_start3A_59 = tpu.memref_slice %arg7[%mul3A_58] : memref<10000xi32, #tpu.memory_space<vmem>> -> memref<80xi32, #tpu.memory_space<vmem>>
          %dma_start3A_60 = arith.constant 0 : i32
          %dma_start3A_61 = arith.constant 0 : i32
          %dma_start3A_62 = tpu.memref_slice %arg2[%dma_start3A_60, %dma_start3A_61] : memref<10000x128xf32, #tpu.memory_space<hbm>> -> memref<10000x128xf32, #tpu.memory_space<hbm>>
          tpu.enqueue_indirect_dma source(%dma_start3A_62 : memref<10000x128xf32, #tpu.memory_space<hbm>>) target(%arg9 : memref<80x128xf32, #tpu.memory_space<vmem>>) offsets(%dma_start3A_59 : memref<80xi32, #tpu.memory_space<vmem>>) semaphore(%arg12 : memref<!tpu.dma_semaphore, #tpu.memory_space<semaphore_mem>>)
        } else {
        }
        %add3A_53 = arith.constant 1 : i32
        %add3A_54 = arith.addi %mul3A_21, %add3A_53 : i32
        "tpu.region"() ({
          %run_scoped3A = tpu.sem_alloc : memref<!tpu.dma_semaphore, #tpu.memory_space<semaphore_mem>>
          %dma_start3A_55 = arith.constant 0 : i32
          %dma_start3A_56 = tpu.memref_slice %arg8[%add3A_54, %dma_start3A_55] : memref<125x80xi32, #tpu.memory_space<vmem>> -> memref<1x80xi32, #tpu.memory_space<vmem>>
          %dma_start3A_57 = tpu.memref_squeeze %dma_start3A_56 : memref<1x80xi32, #tpu.memory_space<vmem>> -> memref<80xi32, #tpu.memory_space<vmem>>
          %dma_start3A_58 = arith.constant 0 : i32
          %dma_start3A_59 = arith.constant 0 : i32
          %dma_start3A_60 = tpu.memref_slice %arg11[%dma_start3A_58, %dma_start3A_59] : memref<10240x128xf32, #tpu.memory_space<vmem_shared>> -> memref<10240x128xf32, #tpu.memory_space<vmem_shared>>
          tpu.enqueue_indirect_dma source(%arg10 : memref<80x128xf32, #tpu.memory_space<vmem>>) target(%dma_start3A_60 : memref<10240x128xf32, #tpu.memory_space<vmem_shared>>) offsets(%dma_start3A_57 : memref<80xi32, #tpu.memory_space<vmem>>) semaphore(%run_scoped3A : memref<!tpu.dma_semaphore, #tpu.memory_space<semaphore_mem>>) {add = true}
          %dma_wait3A_61 = arith.constant 0 : i32
          %dma_wait3A_62 = tpu.memref_slice %arg8[%add3A_54, %dma_wait3A_61] : memref<125x80xi32, #tpu.memory_space<vmem>> -> memref<1x80xi32, #tpu.memory_space<vmem>>
          %dma_wait3A_63 = tpu.memref_squeeze %dma_wait3A_62 : memref<1x80xi32, #tpu.memory_space<vmem>> -> memref<80xi32, #tpu.memory_space<vmem>>
          %dma_wait3A_64 = arith.constant 0 : i32
          %dma_wait3A_65 = arith.constant 0 : i32
          %dma_wait3A_66 = tpu.memref_slice %arg11[%dma_wait3A_64, %dma_wait3A_65] : memref<10240x128xf32, #tpu.memory_space<vmem_shared>> -> memref<10240x128xf32, #tpu.memory_space<vmem_shared>>
          tpu.wait_indirect_dma semaphore(%run_scoped3A : memref<!tpu.dma_semaphore, #tpu.memory_space<semaphore_mem>>) src(%arg10 : memref<80x128xf32, #tpu.memory_space<vmem>>) dst(%dma_wait3A_66 : memref<10240x128xf32, #tpu.memory_space<vmem_shared>>)
          tpu.yield
        }) : () -> ()
      } else {
      }
    }
    %scan3A_13 = arith.constant 63 : i32
    %barrier3A_14 = arith.constant 0 : index
    tpu.barrier barrier_id(%barrier3A_14)
    %mul3A_15 = arith.constant 640 : i32
    %mul3A_16 = arith.muli %arg1, %mul3A_15 : i32
    %mul3A_17 = arith.constant 640 : i32
    %mul3A_18 = arith.muli %arg1, %mul3A_17 : i32
    "tpu.region"() ({
      %run_scoped3A = tpu.sem_alloc : memref<!tpu.dma_semaphore, #tpu.memory_space<semaphore_mem>>
      %dma_start3A_19 = arith.constant 0 : i32
      %dma_start3A_20 = tpu.memref_slice %arg6[%arg0, %mul3A_18, %dma_start3A_19] : memref<2x10240x128xf32, #tpu.memory_space<hbm>> -> memref<1x640x128xf32, #tpu.memory_space<hbm>>
      %dma_start3A_21 = tpu.memref_squeeze %dma_start3A_20 : memref<1x640x128xf32, #tpu.memory_space<hbm>> -> memref<640x128xf32, #tpu.memory_space<hbm>>
      %dma_start3A_22 = arith.constant 0 : i32
      %dma_start3A_23 = tpu.memref_slice %arg11[%mul3A_16, %dma_start3A_22] : memref<10240x128xf32, #tpu.memory_space<vmem_shared>> -> memref<640x128xf32, #tpu.memory_space<vmem_shared>>
      tpu.enqueue_dma source(%dma_start3A_23 : memref<640x128xf32, #tpu.memory_space<vmem_shared>>) target(%dma_start3A_21 : memref<640x128xf32, #tpu.memory_space<hbm>>) target_semaphore(%run_scoped3A : memref<!tpu.dma_semaphore, #tpu.memory_space<semaphore_mem>>)
      %dma_wait3A = arith.constant 0 : i32
      %dma_wait3A_24 = tpu.memref_slice %arg6[%arg0, %mul3A_18, %dma_wait3A] : memref<2x10240x128xf32, #tpu.memory_space<hbm>> -> memref<1x640x128xf32, #tpu.memory_space<hbm>>
      %dma_wait3A_25 = tpu.memref_squeeze %dma_wait3A_24 : memref<1x640x128xf32, #tpu.memory_space<hbm>> -> memref<640x128xf32, #tpu.memory_space<hbm>>
      %dma_wait3A_26 = arith.constant 0 : i32
      %dma_wait3A_27 = tpu.memref_slice %arg11[%mul3A_16, %dma_wait3A_26] : memref<10240x128xf32, #tpu.memory_space<vmem_shared>> -> memref<640x128xf32, #tpu.memory_space<vmem_shared>>
      tpu.wait_dma2 semaphore(%run_scoped3A : memref<!tpu.dma_semaphore, #tpu.memory_space<semaphore_mem>>) src(%dma_wait3A_27 : memref<640x128xf32, #tpu.memory_space<vmem_shared>>) dst(%dma_wait3A_25 : memref<640x128xf32, #tpu.memory_space<hbm>>)
      tpu.yield
    }) : () -> ()
    return
  }
}

#map = affine_map<(d0, d1) -> (0, 0)>
#map1 = affine_map<(d0, d1) -> (0, 0, 0)>
module attributes {stable_mosaic.version = 14 : i64} {
  func.func @k(%arg0: i32, %arg1: i32, %arg2: memref<10000x128xf32, #tpu.memory_space<hbm>>, %arg3: memref<32x10000xi32, #tpu.memory_space<hbm>>, %arg4: memref<32x125x80xi32, #tpu.memory_space<hbm>>, %arg5: memref<10240x128xf32, #tpu.memory_space<hbm>>, %arg6: memref<2x10240x128xf32, #tpu.memory_space<hbm>>, %arg7: memref<10000xi32, #tpu.memory_space<vmem>>, %arg8: memref<125x80xi32, #tpu.memory_space<vmem>>, %arg9: memref<80x128xf32, #tpu.memory_space<vmem>>, %arg10: memref<80x128xf32, #tpu.memory_space<vmem>>, %arg11: memref<10240x128xf32, #tpu.memory_space<vmem_shared>>, %arg12: memref<!tpu.dma_semaphore, #tpu.memory_space<semaphore_mem>>, %arg13: memref<!tpu.dma_semaphore, #tpu.memory_space<semaphore_mem>>) attributes {dimension_semantics = [#tpu.dimension_semantics<core_parallel>, #tpu.dimension_semantics<subcore_parallel>], iteration_bounds = array<i64: 2, 16>, scalar_prefetch = 0 : i64, scratch_operands = 7 : i64, tpu.core_type = #tpu.core_type<sc_vector_subcore>, window_params = [{transform_indices = #map}, {transform_indices = #map}, {transform_indices = #map1}, {transform_indices = #map}, {transform_indices = #map1}]} {
    %mul3A = arith.constant 16 : i32
    %mul3A_0 = arith.muli %arg0, %mul3A : i32
    %add3A = arith.addi %mul3A_0, %arg1 : i32
    "tpu.region"() ({
      %run_scoped3A = tpu.sem_alloc : memref<!tpu.dma_semaphore, #tpu.memory_space<semaphore_mem>>
      %dma_start3A_19 = arith.constant 0 : i32
      %dma_start3A_20 = tpu.memref_slice %arg3[%add3A, %dma_start3A_19] : memref<32x10000xi32, #tpu.memory_space<hbm>> -> memref<1x10000xi32, #tpu.memory_space<hbm>>
      %dma_start3A_21 = tpu.memref_squeeze %dma_start3A_20 : memref<1x10000xi32, #tpu.memory_space<hbm>> -> memref<10000xi32, #tpu.memory_space<hbm>>
      %dma_start3A_22 = arith.constant 0 : i32
      %dma_start3A_23 = tpu.memref_slice %arg3[%add3A, %dma_start3A_22] : memref<32x10000xi32, #tpu.memory_space<hbm>> -> memref<1x10000xi32, #tpu.memory_space<hbm>>
      %dma_start3A_24 = tpu.memref_squeeze %dma_start3A_23 : memref<1x10000xi32, #tpu.memory_space<hbm>> -> memref<10000xi32, #tpu.memory_space<hbm>>
      tpu.enqueue_dma source(%dma_start3A_24 : memref<10000xi32, #tpu.memory_space<hbm>>) target(%arg7 : memref<10000xi32, #tpu.memory_space<vmem>>) target_semaphore(%run_scoped3A : memref<!tpu.dma_semaphore, #tpu.memory_space<semaphore_mem>>)
      %dma_wait3A = arith.constant 0 : i32
      %dma_wait3A_25 = tpu.memref_slice %arg3[%add3A, %dma_wait3A] : memref<32x10000xi32, #tpu.memory_space<hbm>> -> memref<1x10000xi32, #tpu.memory_space<hbm>>
      %dma_wait3A_26 = tpu.memref_squeeze %dma_wait3A_25 : memref<1x10000xi32, #tpu.memory_space<hbm>> -> memref<10000xi32, #tpu.memory_space<hbm>>
      %dma_wait3A_27 = arith.constant 0 : i32
      %dma_wait3A_28 = tpu.memref_slice %arg3[%add3A, %dma_wait3A_27] : memref<32x10000xi32, #tpu.memory_space<hbm>> -> memref<1x10000xi32, #tpu.memory_space<hbm>>
      %dma_wait3A_29 = tpu.memref_squeeze %dma_wait3A_28 : memref<1x10000xi32, #tpu.memory_space<hbm>> -> memref<10000xi32, #tpu.memory_space<hbm>>
      tpu.wait_dma2 semaphore(%run_scoped3A : memref<!tpu.dma_semaphore, #tpu.memory_space<semaphore_mem>>) src(%dma_wait3A_29 : memref<10000xi32, #tpu.memory_space<hbm>>) dst(%arg7 : memref<10000xi32, #tpu.memory_space<vmem>>)
      tpu.yield
    }) : () -> ()
    "tpu.region"() ({
      %run_scoped3A = tpu.sem_alloc : memref<!tpu.dma_semaphore, #tpu.memory_space<semaphore_mem>>
      %dma_start3A_19 = arith.constant 0 : i32
      %dma_start3A_20 = arith.constant 0 : i32
      %dma_start3A_21 = tpu.memref_slice %arg4[%add3A, %dma_start3A_19, %dma_start3A_20] : memref<32x125x80xi32, #tpu.memory_space<hbm>> -> memref<1x125x80xi32, #tpu.memory_space<hbm>>
      %dma_start3A_22 = tpu.memref_squeeze %dma_start3A_21 : memref<1x125x80xi32, #tpu.memory_space<hbm>> -> memref<125x80xi32, #tpu.memory_space<hbm>>
      %dma_start3A_23 = arith.constant 0 : i32
      %dma_start3A_24 = arith.constant 0 : i32
      %dma_start3A_25 = tpu.memref_slice %arg4[%add3A, %dma_start3A_23, %dma_start3A_24] : memref<32x125x80xi32, #tpu.memory_space<hbm>> -> memref<1x125x80xi32, #tpu.memory_space<hbm>>
      %dma_start3A_26 = tpu.memref_squeeze %dma_start3A_25 : memref<1x125x80xi32, #tpu.memory_space<hbm>> -> memref<125x80xi32, #tpu.memory_space<hbm>>
      tpu.enqueue_dma source(%dma_start3A_26 : memref<125x80xi32, #tpu.memory_space<hbm>>) target(%arg8 : memref<125x80xi32, #tpu.memory_space<vmem>>) target_semaphore(%run_scoped3A : memref<!tpu.dma_semaphore, #tpu.memory_space<semaphore_mem>>)
      %dma_wait3A = arith.constant 0 : i32
      %dma_wait3A_27 = arith.constant 0 : i32
      %dma_wait3A_28 = tpu.memref_slice %arg4[%add3A, %dma_wait3A, %dma_wait3A_27] : memref<32x125x80xi32, #tpu.memory_space<hbm>> -> memref<1x125x80xi32, #tpu.memory_space<hbm>>
      %dma_wait3A_29 = tpu.memref_squeeze %dma_wait3A_28 : memref<1x125x80xi32, #tpu.memory_space<hbm>> -> memref<125x80xi32, #tpu.memory_space<hbm>>
      %dma_wait3A_30 = arith.constant 0 : i32
      %dma_wait3A_31 = arith.constant 0 : i32
      %dma_wait3A_32 = tpu.memref_slice %arg4[%add3A, %dma_wait3A_30, %dma_wait3A_31] : memref<32x125x80xi32, #tpu.memory_space<hbm>> -> memref<1x125x80xi32, #tpu.memory_space<hbm>>
      %dma_wait3A_33 = tpu.memref_squeeze %dma_wait3A_32 : memref<1x125x80xi32, #tpu.memory_space<hbm>> -> memref<125x80xi32, #tpu.memory_space<hbm>>
      tpu.wait_dma2 semaphore(%run_scoped3A : memref<!tpu.dma_semaphore, #tpu.memory_space<semaphore_mem>>) src(%dma_wait3A_33 : memref<125x80xi32, #tpu.memory_space<hbm>>) dst(%arg8 : memref<125x80xi32, #tpu.memory_space<vmem>>)
      tpu.yield
    }) : () -> ()
    %mul3A_1 = arith.constant 640 : i32
    %mul3A_2 = arith.muli %arg1, %mul3A_1 : i32
    %mul3A_3 = arith.constant 640 : i32
    %mul3A_4 = arith.muli %arg1, %mul3A_3 : i32
    "tpu.region"() ({
      %run_scoped3A = tpu.sem_alloc : memref<!tpu.dma_semaphore, #tpu.memory_space<semaphore_mem>>
      %dma_start3A_19 = arith.constant 0 : i32
      %dma_start3A_20 = tpu.memref_slice %arg11[%mul3A_4, %dma_start3A_19] : memref<10240x128xf32, #tpu.memory_space<vmem_shared>> -> memref<640x128xf32, #tpu.memory_space<vmem_shared>>
      %dma_start3A_21 = arith.constant 0 : i32
      %dma_start3A_22 = tpu.memref_slice %arg5[%mul3A_2, %dma_start3A_21] : memref<10240x128xf32, #tpu.memory_space<hbm>> -> memref<640x128xf32, #tpu.memory_space<hbm>>
      tpu.enqueue_dma source(%dma_start3A_22 : memref<640x128xf32, #tpu.memory_space<hbm>>) target(%dma_start3A_20 : memref<640x128xf32, #tpu.memory_space<vmem_shared>>) target_semaphore(%run_scoped3A : memref<!tpu.dma_semaphore, #tpu.memory_space<semaphore_mem>>)
      %dma_wait3A = arith.constant 0 : i32
      %dma_wait3A_23 = tpu.memref_slice %arg11[%mul3A_4, %dma_wait3A] : memref<10240x128xf32, #tpu.memory_space<vmem_shared>> -> memref<640x128xf32, #tpu.memory_space<vmem_shared>>
      %dma_wait3A_24 = arith.constant 0 : i32
      %dma_wait3A_25 = tpu.memref_slice %arg5[%mul3A_2, %dma_wait3A_24] : memref<10240x128xf32, #tpu.memory_space<hbm>> -> memref<640x128xf32, #tpu.memory_space<hbm>>
      tpu.wait_dma2 semaphore(%run_scoped3A : memref<!tpu.dma_semaphore, #tpu.memory_space<semaphore_mem>>) src(%dma_wait3A_25 : memref<640x128xf32, #tpu.memory_space<hbm>>) dst(%dma_wait3A_23 : memref<640x128xf32, #tpu.memory_space<vmem_shared>>)
      tpu.yield
    }) : () -> ()
    %barrier3A = arith.constant 0 : index
    tpu.barrier barrier_id(%barrier3A)
    %dma_start3A = arith.constant 0 : i32
    %dma_start3A_5 = tpu.memref_slice %arg7[%dma_start3A] : memref<10000xi32, #tpu.memory_space<vmem>> -> memref<80xi32, #tpu.memory_space<vmem>>
    %dma_start3A_6 = arith.constant 0 : i32
    %dma_start3A_7 = arith.constant 0 : i32
    %dma_start3A_8 = tpu.memref_slice %arg2[%dma_start3A_6, %dma_start3A_7] : memref<10000x128xf32, #tpu.memory_space<hbm>> -> memref<10000x128xf32, #tpu.memory_space<hbm>>
    tpu.enqueue_indirect_dma source(%dma_start3A_8 : memref<10000x128xf32, #tpu.memory_space<hbm>>) target(%arg9 : memref<80x128xf32, #tpu.memory_space<vmem>>) offsets(%dma_start3A_5 : memref<80xi32, #tpu.memory_space<vmem>>) semaphore(%arg12 : memref<!tpu.dma_semaphore, #tpu.memory_space<semaphore_mem>>)
    %scan3A = arith.constant 0 : i32
    %scan3A_9 = arith.constant 0 : i32
    %scan3A_10 = arith.constant 63 : i32
    %scan3A_11 = arith.addi %scan3A_9, %scan3A_10 : i32
    %scan3A_12 = arith.constant 1 : i32
    scf.for %scan3A_19 = %scan3A_9 to %scan3A_11 step %scan3A_12  : i32 {
      %mul3A_20 = arith.constant 2 : i32
      %mul3A_21 = arith.muli %mul3A_20, %scan3A_19 : i32
      %mul3A_22 = arith.constant 80 : i32
      %mul3A_23 = arith.muli %mul3A_21, %mul3A_22 : i32
      %dma_wait3A = tpu.memref_slice %arg7[%mul3A_23] : memref<10000xi32, #tpu.memory_space<vmem>> -> memref<80xi32, #tpu.memory_space<vmem>>
      %dma_wait3A_24 = arith.constant 0 : i32
      %dma_wait3A_25 = arith.constant 0 : i32
      %dma_wait3A_26 = tpu.memref_slice %arg2[%dma_wait3A_24, %dma_wait3A_25] : memref<10000x128xf32, #tpu.memory_space<hbm>> -> memref<10000x128xf32, #tpu.memory_space<hbm>>
      tpu.wait_indirect_dma semaphore(%arg12 : memref<!tpu.dma_semaphore, #tpu.memory_space<semaphore_mem>>) src(%dma_wait3A_26 : memref<10000x128xf32, #tpu.memory_space<hbm>>) dst(%arg9 : memref<80x128xf32, #tpu.memory_space<vmem>>)
      %add3A_27 = arith.constant 1 : i32
      %add3A_28 = arith.addi %mul3A_21, %add3A_27 : i32
      %lt3A = arith.constant 125 : i32
      %lt3A_29 = arith.cmpi slt, %add3A_28, %lt3A : i32
      %convert_element_type3A = arith.extui %lt3A_29 : i1 to i32
      %cond3A = arith.constant 0 : i32
      %cond3A_30 = arith.cmpi ne, %convert_element_type3A, %cond3A : i32
      scf.if %cond3A_30 {
        %add3A_38 = arith.constant 1 : i32
        %add3A_39 = arith.addi %mul3A_21, %add3A_38 : i32
        %mul3A_40 = arith.constant 80 : i32
        %mul3A_41 = arith.muli %add3A_39, %mul3A_40 : i32
        %dma_start3A_42 = tpu.memref_slice %arg7[%mul3A_41] : memref<10000xi32, #tpu.memory_space<vmem>> -> memref<80xi32, #tpu.memory_space<vmem>>
        %dma_start3A_43 = arith.constant 0 : i32
        %dma_start3A_44 = arith.constant 0 : i32
        %dma_start3A_45 = tpu.memref_slice %arg2[%dma_start3A_43, %dma_start3A_44] : memref<10000x128xf32, #tpu.memory_space<hbm>> -> memref<10000x128xf32, #tpu.memory_space<hbm>>
        tpu.enqueue_indirect_dma source(%dma_start3A_45 : memref<10000x128xf32, #tpu.memory_space<hbm>>) target(%arg10 : memref<80x128xf32, #tpu.memory_space<vmem>>) offsets(%dma_start3A_42 : memref<80xi32, #tpu.memory_space<vmem>>) semaphore(%arg13 : memref<!tpu.dma_semaphore, #tpu.memory_space<semaphore_mem>>)
      } else {
      }
      "tpu.region"() ({
        %run_scoped3A = tpu.sem_alloc : memref<!tpu.dma_semaphore, #tpu.memory_space<semaphore_mem>>
        %dma_start3A_38 = arith.constant 0 : i32
        %dma_start3A_39 = tpu.memref_slice %arg8[%mul3A_21, %dma_start3A_38] : memref<125x80xi32, #tpu.memory_space<vmem>> -> memref<1x80xi32, #tpu.memory_space<vmem>>
        %dma_start3A_40 = tpu.memref_squeeze %dma_start3A_39 : memref<1x80xi32, #tpu.memory_space<vmem>> -> memref<80xi32, #tpu.memory_space<vmem>>
        %dma_start3A_41 = arith.constant 0 : i32
        %dma_start3A_42 = arith.constant 0 : i32
        %dma_start3A_43 = tpu.memref_slice %arg11[%dma_start3A_41, %dma_start3A_42] : memref<10240x128xf32, #tpu.memory_space<vmem_shared>> -> memref<10240x128xf32, #tpu.memory_space<vmem_shared>>
        tpu.enqueue_indirect_dma source(%arg9 : memref<80x128xf32, #tpu.memory_space<vmem>>) target(%dma_start3A_43 : memref<10240x128xf32, #tpu.memory_space<vmem_shared>>) offsets(%dma_start3A_40 : memref<80xi32, #tpu.memory_space<vmem>>) semaphore(%run_scoped3A : memref<!tpu.dma_semaphore, #tpu.memory_space<semaphore_mem>>) {add = true}
        %dma_wait3A_44 = arith.constant 0 : i32
        %dma_wait3A_45 = tpu.memref_slice %arg8[%mul3A_21, %dma_wait3A_44] : memref<125x80xi32, #tpu.memory_space<vmem>> -> memref<1x80xi32, #tpu.memory_space<vmem>>
        %dma_wait3A_46 = tpu.memref_squeeze %dma_wait3A_45 : memref<1x80xi32, #tpu.memory_space<vmem>> -> memref<80xi32, #tpu.memory_space<vmem>>
        %dma_wait3A_47 = arith.constant 0 : i32
        %dma_wait3A_48 = arith.constant 0 : i32
        %dma_wait3A_49 = tpu.memref_slice %arg11[%dma_wait3A_47, %dma_wait3A_48] : memref<10240x128xf32, #tpu.memory_space<vmem_shared>> -> memref<10240x128xf32, #tpu.memory_space<vmem_shared>>
        tpu.wait_indirect_dma semaphore(%run_scoped3A : memref<!tpu.dma_semaphore, #tpu.memory_space<semaphore_mem>>) src(%arg9 : memref<80x128xf32, #tpu.memory_space<vmem>>) dst(%dma_wait3A_49 : memref<10240x128xf32, #tpu.memory_space<vmem_shared>>)
        tpu.yield
      }) : () -> ()
      %add3A_31 = arith.constant 1 : i32
      %add3A_32 = arith.addi %mul3A_21, %add3A_31 : i32
      %lt3A_33 = arith.constant 125 : i32
      %lt3A_34 = arith.cmpi slt, %add3A_32, %lt3A_33 : i32
      %convert_element_type3A_35 = arith.extui %lt3A_34 : i1 to i32
      %cond3A_36 = arith.constant 0 : i32
      %cond3A_37 = arith.cmpi ne, %convert_element_type3A_35, %cond3A_36 : i32
      scf.if %cond3A_37 {
        %add3A_38 = arith.constant 1 : i32
        %add3A_39 = arith.addi %mul3A_21, %add3A_38 : i32
        %mul3A_40 = arith.constant 80 : i32
        %mul3A_41 = arith.muli %add3A_39, %mul3A_40 : i32
        %dma_wait3A_42 = tpu.memref_slice %arg7[%mul3A_41] : memref<10000xi32, #tpu.memory_space<vmem>> -> memref<80xi32, #tpu.memory_space<vmem>>
        %dma_wait3A_43 = arith.constant 0 : i32
        %dma_wait3A_44 = arith.constant 0 : i32
        %dma_wait3A_45 = tpu.memref_slice %arg2[%dma_wait3A_43, %dma_wait3A_44] : memref<10000x128xf32, #tpu.memory_space<hbm>> -> memref<10000x128xf32, #tpu.memory_space<hbm>>
        tpu.wait_indirect_dma semaphore(%arg13 : memref<!tpu.dma_semaphore, #tpu.memory_space<semaphore_mem>>) src(%dma_wait3A_45 : memref<10000x128xf32, #tpu.memory_space<hbm>>) dst(%arg10 : memref<80x128xf32, #tpu.memory_space<vmem>>)
        %add3A_46 = arith.constant 2 : i32
        %add3A_47 = arith.addi %mul3A_21, %add3A_46 : i32
        %lt3A_48 = arith.constant 125 : i32
        %lt3A_49 = arith.cmpi slt, %add3A_47, %lt3A_48 : i32
        %convert_element_type3A_50 = arith.extui %lt3A_49 : i1 to i32
        %cond3A_51 = arith.constant 0 : i32
        %cond3A_52 = arith.cmpi ne, %convert_element_type3A_50, %cond3A_51 : i32
        scf.if %cond3A_52 {
          %add3A_55 = arith.constant 2 : i32
          %add3A_56 = arith.addi %mul3A_21, %add3A_55 : i32
          %mul3A_57 = arith.constant 80 : i32
          %mul3A_58 = arith.muli %add3A_56, %mul3A_57 : i32
          %dma_start3A_59 = tpu.memref_slice %arg7[%mul3A_58] : memref<10000xi32, #tpu.memory_space<vmem>> -> memref<80xi32, #tpu.memory_space<vmem>>
          %dma_start3A_60 = arith.constant 0 : i32
          %dma_start3A_61 = arith.constant 0 : i32
          %dma_start3A_62 = tpu.memref_slice %arg2[%dma_start3A_60, %dma_start3A_61] : memref<10000x128xf32, #tpu.memory_space<hbm>> -> memref<10000x128xf32, #tpu.memory_space<hbm>>
          tpu.enqueue_indirect_dma source(%dma_start3A_62 : memref<10000x128xf32, #tpu.memory_space<hbm>>) target(%arg9 : memref<80x128xf32, #tpu.memory_space<vmem>>) offsets(%dma_start3A_59 : memref<80xi32, #tpu.memory_space<vmem>>) semaphore(%arg12 : memref<!tpu.dma_semaphore, #tpu.memory_space<semaphore_mem>>)
        } else {
        }
        %add3A_53 = arith.constant 1 : i32
        %add3A_54 = arith.addi %mul3A_21, %add3A_53 : i32
        "tpu.region"() ({
          %run_scoped3A = tpu.sem_alloc : memref<!tpu.dma_semaphore, #tpu.memory_space<semaphore_mem>>
          %dma_start3A_55 = arith.constant 0 : i32
          %dma_start3A_56 = tpu.memref_slice %arg8[%add3A_54, %dma_start3A_55] : memref<125x80xi32, #tpu.memory_space<vmem>> -> memref<1x80xi32, #tpu.memory_space<vmem>>
          %dma_start3A_57 = tpu.memref_squeeze %dma_start3A_56 : memref<1x80xi32, #tpu.memory_space<vmem>> -> memref<80xi32, #tpu.memory_space<vmem>>
          %dma_start3A_58 = arith.constant 0 : i32
          %dma_start3A_59 = arith.constant 0 : i32
          %dma_start3A_60 = tpu.memref_slice %arg11[%dma_start3A_58, %dma_start3A_59] : memref<10240x128xf32, #tpu.memory_space<vmem_shared>> -> memref<10240x128xf32, #tpu.memory_space<vmem_shared>>
          tpu.enqueue_indirect_dma source(%arg10 : memref<80x128xf32, #tpu.memory_space<vmem>>) target(%dma_start3A_60 : memref<10240x128xf32, #tpu.memory_space<vmem_shared>>) offsets(%dma_start3A_57 : memref<80xi32, #tpu.memory_space<vmem>>) semaphore(%run_scoped3A : memref<!tpu.dma_semaphore, #tpu.memory_space<semaphore_mem>>) {add = true}
          %dma_wait3A_61 = arith.constant 0 : i32
          %dma_wait3A_62 = tpu.memref_slice %arg8[%add3A_54, %dma_wait3A_61] : memref<125x80xi32, #tpu.memory_space<vmem>> -> memref<1x80xi32, #tpu.memory_space<vmem>>
          %dma_wait3A_63 = tpu.memref_squeeze %dma_wait3A_62 : memref<1x80xi32, #tpu.memory_space<vmem>> -> memref<80xi32, #tpu.memory_space<vmem>>
          %dma_wait3A_64 = arith.constant 0 : i32
          %dma_wait3A_65 = arith.constant 0 : i32
          %dma_wait3A_66 = tpu.memref_slice %arg11[%dma_wait3A_64, %dma_wait3A_65] : memref<10240x128xf32, #tpu.memory_space<vmem_shared>> -> memref<10240x128xf32, #tpu.memory_space<vmem_shared>>
          tpu.wait_indirect_dma semaphore(%run_scoped3A : memref<!tpu.dma_semaphore, #tpu.memory_space<semaphore_mem>>) src(%arg10 : memref<80x128xf32, #tpu.memory_space<vmem>>) dst(%dma_wait3A_66 : memref<10240x128xf32, #tpu.memory_space<vmem_shared>>)
          tpu.yield
        }) : () -> ()
      } else {
      }
    }
    %scan3A_13 = arith.constant 63 : i32
    %barrier3A_14 = arith.constant 0 : index
    tpu.barrier barrier_id(%barrier3A_14)
    %mul3A_15 = arith.constant 640 : i32
    %mul3A_16 = arith.muli %arg1, %mul3A_15 : i32
    %mul3A_17 = arith.constant 640 : i32
    %mul3A_18 = arith.muli %arg1, %mul3A_17 : i32
    "tpu.region"() ({
      %run_scoped3A = tpu.sem_alloc : memref<!tpu.dma_semaphore, #tpu.memory_space<semaphore_mem>>
      %dma_start3A_19 = arith.constant 0 : i32
      %dma_start3A_20 = tpu.memref_slice %arg6[%arg0, %mul3A_18, %dma_start3A_19] : memref<2x10240x128xf32, #tpu.memory_space<hbm>> -> memref<1x640x128xf32, #tpu.memory_space<hbm>>
      %dma_start3A_21 = tpu.memref_squeeze %dma_start3A_20 : memref<1x640x128xf32, #tpu.memory_space<hbm>> -> memref<640x128xf32, #tpu.memory_space<hbm>>
      %dma_start3A_22 = arith.constant 0 : i32
      %dma_start3A_23 = tpu.memref_slice %arg11[%mul3A_16, %dma_start3A_22] : memref<10240x128xf32, #tpu.memory_space<vmem_shared>> -> memref<640x128xf32, #tpu.memory_space<vmem_shared>>
      tpu.enqueue_dma source(%dma_start3A_23 : memref<640x128xf32, #tpu.memory_space<vmem_shared>>) target(%dma_start3A_21 : memref<640x128xf32, #tpu.memory_space<hbm>>) target_semaphore(%run_scoped3A : memref<!tpu.dma_semaphore, #tpu.memory_space<semaphore_mem>>)
      %dma_wait3A = arith.constant 0 : i32
      %dma_wait3A_24 = tpu.memref_slice %arg6[%arg0, %mul3A_18, %dma_wait3A] : memref<2x10240x128xf32, #tpu.memory_space<hbm>> -> memref<1x640x128xf32, #tpu.memory_space<hbm>>
      %dma_wait3A_25 = tpu.memref_squeeze %dma_wait3A_24 : memref<1x640x128xf32, #tpu.memory_space<hbm>> -> memref<640x128xf32, #tpu.memory_space<hbm>>
      %dma_wait3A_26 = arith.constant 0 : i32
      %dma_wait3A_27 = tpu.memref_slice %arg11[%mul3A_16, %dma_wait3A_26] : memref<10240x128xf32, #tpu.memory_space<vmem_shared>> -> memref<640x128xf32, #tpu.memory_space<vmem_shared>>
      tpu.wait_dma2 semaphore(%run_scoped3A : memref<!tpu.dma_semaphore, #tpu.memory_space<semaphore_mem>>) src(%dma_wait3A_27 : memref<640x128xf32, #tpu.memory_space<vmem_shared>>) dst(%dma_wait3A_25 : memref<640x128xf32, #tpu.memory_space<hbm>>)
      tpu.yield
    }) : () -> ()
    return
  }
}

module attributes {stable_mosaic.version = 14 : i64} {
  func.func @body(%arg0: i32, %arg1: memref<1x2000x128xf32, #tpu.memory_space<vmem>>, %arg2: memref<1x2000x128xf32, #tpu.memory_space<vmem>>, %arg3: memref<2000x128xf32, #tpu.memory_space<vmem>>, %arg4: memref<128x128xf32, #tpu.memory_space<vmem>>, %arg5: memref<1x128xf32, #tpu.memory_space<vmem>>, %arg6: memref<128x128xf32, #tpu.memory_space<vmem>>, %arg7: memref<2000x128xf32, #tpu.memory_space<vmem>>) attributes {dimension_semantics = [#tpu.dimension_semantics<arbitrary>], iteration_bounds = array<i64: 5>, scalar_prefetch = 0 : i64, scratch_operands = 0 : i64, tpu.core_type = #tpu.core_type<tc>, window_params = [{transform_indices = @transform_0, window_bounds = array<i64: 1, 2000, 128>}, {transform_indices = @transform_1, window_bounds = array<i64: 1, 2000, 128>}, {transform_indices = @transform_2, window_bounds = array<i64: 2000, 128>}, {pipeline_mode = #tpu.pipeline_mode<synchronous>, transform_indices = @transform_3, window_bounds = array<i64: 128, 128>}, {pipeline_mode = #tpu.pipeline_mode<synchronous>, transform_indices = @transform_4, window_bounds = array<i64: 1, 128>}, {pipeline_mode = #tpu.pipeline_mode<synchronous>, transform_indices = @transform_5, window_bounds = array<i64: 128, 128>}, {transform_indices = @transform_6, window_bounds = array<i64: 2000, 128>}]} {
    %get3A = arith.constant 0 : index
    %get3A_0 = arith.constant 0 : index
    %get3A_1 = arith.constant 0 : index
    %get3A_2 = vector.load %arg1[%get3A, %get3A_0, %get3A_1] : memref<1x2000x128xf32, #tpu.memory_space<vmem>>, vector<1x2000x128xf32>
    %get3A_3 = vector.shape_cast %get3A_2 : vector<1x2000x128xf32> to vector<2000x128xf32>
    %get3A_4 = arith.constant 0 : index
    %get3A_5 = arith.constant 0 : index
    %get3A_6 = arith.constant 0 : index
    %get3A_7 = vector.load %arg2[%get3A_4, %get3A_5, %get3A_6] : memref<1x2000x128xf32, #tpu.memory_space<vmem>>, vector<1x2000x128xf32>
    %get3A_8 = vector.shape_cast %get3A_7 : vector<1x2000x128xf32> to vector<2000x128xf32>
    %add3A = arith.addf %get3A_3, %get3A_8 : vector<2000x128xf32>
    %get3A_9 = arith.constant 0 : index
    %get3A_10 = arith.constant 0 : index
    %get3A_11 = vector.load %arg4[%get3A_9, %get3A_10] : memref<128x128xf32, #tpu.memory_space<vmem>>, vector<128x128xf32>
    %dot_general3A = arith.constant dense<0.000000e+00> : vector<2000x128xf32>
    %dot_general3A_12 = tpu.matmul %add3A, %get3A_11, %dot_general3A {dimension_numbers = #tpu.dot_dimension_numbers<[1], [1], [0], [0], [0, 0, 1, 0], [], []>, transpose_lhs_hint = false} : vector<2000x128xf32>, vector<128x128xf32>, vector<2000x128xf32> -> vector<2000x128xf32>
    %get3A_13 = arith.constant 0 : index
    %get3A_14 = arith.constant 0 : index
    %get3A_15 = vector.load %arg3[%get3A_13, %get3A_14] : memref<2000x128xf32, #tpu.memory_space<vmem>>, vector<2000x128xf32>
    %get3A_16 = arith.constant 0 : index
    %get3A_17 = arith.constant 0 : index
    %get3A_18 = vector.load %arg6[%get3A_16, %get3A_17] : memref<128x128xf32, #tpu.memory_space<vmem>>, vector<128x128xf32>
    %dot_general3A_19 = arith.constant dense<0.000000e+00> : vector<2000x128xf32>
    %dot_general3A_20 = tpu.matmul %get3A_15, %get3A_18, %dot_general3A_19 {dimension_numbers = #tpu.dot_dimension_numbers<[1], [1], [0], [0], [0, 0, 1, 0], [], []>, transpose_lhs_hint = false} : vector<2000x128xf32>, vector<128x128xf32>, vector<2000x128xf32> -> vector<2000x128xf32>
    %add3A_21 = arith.addf %dot_general3A_12, %dot_general3A_20 : vector<2000x128xf32>
    %get3A_22 = arith.constant 0 : index
    %get3A_23 = arith.constant 0 : index
    %get3A_24 = vector.load %arg5[%get3A_22, %get3A_23] : memref<1x128xf32, #tpu.memory_space<vmem>>, vector<1x128xf32>
    %add3A_25 = vector.broadcast %get3A_24 : vector<1x128xf32> to vector<2000x128xf32>
    %add3A_26 = arith.addf %add3A_21, %add3A_25 : vector<2000x128xf32>
    %max3A = arith.constant 0.000000e+00 : f32
    %max3A_27 = vector.broadcast %max3A : f32 to vector<2000x128xf32>
    %max3A_28 = arith.maximumf %add3A_26, %max3A_27 : vector<2000x128xf32>
    %swap3A = arith.constant 0 : index
    %swap3A_29 = arith.constant 0 : index
    %swap3A_30 = vector.load %arg7[%swap3A, %swap3A_29] : memref<2000x128xf32, #tpu.memory_space<vmem>>, vector<2000x128xf32>
    tpu.vector_store %arg7[%swap3A, %swap3A_29], %max3A_28 {strides = array<i32>} : memref<2000x128xf32, #tpu.memory_space<vmem>>, vector<2000x128xf32>,
    return
  }
  func.func @transform_0(%arg0: i32) -> (i32, i32, i32) {
    %c0_i32 = arith.constant 0 : i32
    %c0_i32_0 = arith.constant 0 : i32
    %c0_i32_1 = arith.constant 0 : i32
    return %c0_i32, %arg0, %c0_i32_0 : i32, i32, i32
  }
  func.func @transform_1(%arg0: i32) -> (i32, i32, i32) {
    %c1_i32 = arith.constant 1 : i32
    %c0_i32 = arith.constant 0 : i32
    %c0_i32_0 = arith.constant 0 : i32
    return %c1_i32, %arg0, %c0_i32 : i32, i32, i32
  }
  func.func @transform_2(%arg0: i32) -> (i32, i32) {
    %c0_i32 = arith.constant 0 : i32
    %c0_i32_0 = arith.constant 0 : i32
    return %arg0, %c0_i32 : i32, i32
  }
  func.func @transform_3(%arg0: i32) -> (i32, i32) {
    %c0_i32 = arith.constant 0 : i32
    %c0_i32_0 = arith.constant 0 : i32
    %c0_i32_1 = arith.constant 0 : i32
    return %c0_i32, %c0_i32_0 : i32, i32
  }
  func.func @transform_4(%arg0: i32) -> (i32, i32) {
    %c0_i32 = arith.constant 0 : i32
    %c0_i32_0 = arith.constant 0 : i32
    %c0_i32_1 = arith.constant 0 : i32
    return %c0_i32, %c0_i32_0 : i32, i32
  }
  func.func @transform_5(%arg0: i32) -> (i32, i32) {
    %c0_i32 = arith.constant 0 : i32
    %c0_i32_0 = arith.constant 0 : i32
    %c0_i32_1 = arith.constant 0 : i32
    return %c0_i32, %c0_i32_0 : i32, i32
  }
  func.func @transform_6(%arg0: i32) -> (i32, i32) {
    %c0_i32 = arith.constant 0 : i32
    %c0_i32_0 = arith.constant 0 : i32
    return %arg0, %c0_i32 : i32, i32
  }
}

module attributes {stable_mosaic.version = 14 : i64} {
  func.func @body(%arg0: i32, %arg1: memref<1x2000x128xf32, #tpu.memory_space<vmem>>, %arg2: memref<1x2000x128xf32, #tpu.memory_space<vmem>>, %arg3: memref<2000x128xf32, #tpu.memory_space<vmem>>, %arg4: memref<128x128xf32, #tpu.memory_space<vmem>>, %arg5: memref<1x128xf32, #tpu.memory_space<vmem>>, %arg6: memref<128x128xf32, #tpu.memory_space<vmem>>, %arg7: memref<1x1x2000xi32, #tpu.memory_space<vmem>>, %arg8: memref<128x128xf32, #tpu.memory_space<vmem>>, %arg9: memref<128x128xf32, #tpu.memory_space<vmem>>, %arg10: memref<1x128xf32, #tpu.memory_space<vmem>>, %arg11: memref<128x1xf32, #tpu.memory_space<vmem>>, %arg12: memref<1x1xf32, #tpu.memory_space<vmem>>, %arg13: memref<64x1xf32, #tpu.memory_space<vmem>>, %arg14: memref<64x128xf32, #tpu.memory_space<vmem>>, %arg15: memref<64x128xf32, #tpu.memory_space<vmem>>) attributes {dimension_semantics = [#tpu.dimension_semantics<arbitrary>], iteration_bounds = array<i64: 5>, scalar_prefetch = 0 : i64, scratch_operands = 2 : i64, tpu.core_type = #tpu.core_type<tc>, window_params = [{transform_indices = @transform_0, window_bounds = array<i64: 1, 2000, 128>}, {transform_indices = @transform_1, window_bounds = array<i64: 1, 2000, 128>}, {transform_indices = @transform_2, window_bounds = array<i64: 2000, 128>}, {pipeline_mode = #tpu.pipeline_mode<synchronous>, transform_indices = @transform_3, window_bounds = array<i64: 128, 128>}, {pipeline_mode = #tpu.pipeline_mode<synchronous>, transform_indices = @transform_4, window_bounds = array<i64: 1, 128>}, {pipeline_mode = #tpu.pipeline_mode<synchronous>, transform_indices = @transform_5, window_bounds = array<i64: 128, 128>}, {transform_indices = @transform_6, window_bounds = array<i64: 1, 1, 2000>}, {pipeline_mode = #tpu.pipeline_mode<synchronous>, transform_indices = @transform_7, window_bounds = array<i64: 128, 128>}, {pipeline_mode = #tpu.pipeline_mode<synchronous>, transform_indices = @transform_8, window_bounds = array<i64: 128, 128>}, {pipeline_mode = #tpu.pipeline_mode<synchronous>, transform_indices = @transform_9, window_bounds = array<i64: 1, 128>}, {pipeline_mode = #tpu.pipeline_mode<synchronous>, transform_indices = @transform_10, window_bounds = array<i64: 128, 1>}, {pipeline_mode = #tpu.pipeline_mode<synchronous>, transform_indices = @transform_11, window_bounds = array<i64: 1, 1>}, {pipeline_mode = #tpu.pipeline_mode<synchronous>, transform_indices = @transform_12, window_bounds = array<i64: 64, 1>}]} {
    %eq3A = arith.constant 0 : i32
    %eq3A_0 = arith.cmpi eq, %arg0, %eq3A : i32
    %convert_element_type3A = arith.extui %eq3A_0 : i1 to i32
    %cond3A = arith.constant 0 : i32
    %cond3A_1 = arith.cmpi ne, %convert_element_type3A, %cond3A : i32
    scf.if %cond3A_1 {
      %broadcast_in_dim3A_61 = arith.constant 0.000000e+00 : f32
      %broadcast_in_dim3A_62 = vector.broadcast %broadcast_in_dim3A_61 : f32 to vector<64x128xf32>
      %swap3A_63 = arith.constant 0 : index
      %swap3A_64 = arith.constant 0 : index
      %swap3A_65 = vector.load %arg14[%swap3A_63, %swap3A_64] : memref<64x128xf32, #tpu.memory_space<vmem>>, vector<64x128xf32>
      tpu.vector_store %arg14[%swap3A_63, %swap3A_64], %broadcast_in_dim3A_62 {strides = array<i32>} : memref<64x128xf32, #tpu.memory_space<vmem>>, vector<64x128xf32>,
      %broadcast_in_dim3A_66 = arith.constant 0.000000e+00 : f32
      %broadcast_in_dim3A_67 = vector.broadcast %broadcast_in_dim3A_66 : f32 to vector<64x128xf32>
      %swap3A_68 = arith.constant 0 : index
      %swap3A_69 = arith.constant 0 : index
      %swap3A_70 = vector.load %arg15[%swap3A_68, %swap3A_69] : memref<64x128xf32, #tpu.memory_space<vmem>>, vector<64x128xf32>
      tpu.vector_store %arg15[%swap3A_68, %swap3A_69], %broadcast_in_dim3A_67 {strides = array<i32>} : memref<64x128xf32, #tpu.memory_space<vmem>>, vector<64x128xf32>,
    } else {
    }
    %get3A = arith.constant 0 : index
    %get3A_2 = arith.constant 0 : index
    %get3A_3 = arith.constant 0 : index
    %get3A_4 = vector.load %arg1[%get3A, %get3A_2, %get3A_3] : memref<1x2000x128xf32, #tpu.memory_space<vmem>>, vector<1x2000x128xf32>
    %get3A_5 = vector.shape_cast %get3A_4 : vector<1x2000x128xf32> to vector<2000x128xf32>
    %get3A_6 = arith.constant 0 : index
    %get3A_7 = arith.constant 0 : index
    %get3A_8 = arith.constant 0 : index
    %get3A_9 = vector.load %arg2[%get3A_6, %get3A_7, %get3A_8] : memref<1x2000x128xf32, #tpu.memory_space<vmem>>, vector<1x2000x128xf32>
    %get3A_10 = vector.shape_cast %get3A_9 : vector<1x2000x128xf32> to vector<2000x128xf32>
    %add3A = arith.addf %get3A_5, %get3A_10 : vector<2000x128xf32>
    %get3A_11 = arith.constant 0 : index
    %get3A_12 = arith.constant 0 : index
    %get3A_13 = vector.load %arg4[%get3A_11, %get3A_12] : memref<128x128xf32, #tpu.memory_space<vmem>>, vector<128x128xf32>
    %dot_general3A = arith.constant dense<0.000000e+00> : vector<2000x128xf32>
    %dot_general3A_14 = tpu.matmul %add3A, %get3A_13, %dot_general3A {dimension_numbers = #tpu.dot_dimension_numbers<[1], [1], [0], [0], [0, 0, 1, 0], [], []>, transpose_lhs_hint = false} : vector<2000x128xf32>, vector<128x128xf32>, vector<2000x128xf32> -> vector<2000x128xf32>
    %get3A_15 = arith.constant 0 : index
    %get3A_16 = arith.constant 0 : index
    %get3A_17 = vector.load %arg3[%get3A_15, %get3A_16] : memref<2000x128xf32, #tpu.memory_space<vmem>>, vector<2000x128xf32>
    %get3A_18 = arith.constant 0 : index
    %get3A_19 = arith.constant 0 : index
    %get3A_20 = vector.load %arg6[%get3A_18, %get3A_19] : memref<128x128xf32, #tpu.memory_space<vmem>>, vector<128x128xf32>
    %dot_general3A_21 = arith.constant dense<0.000000e+00> : vector<2000x128xf32>
    %dot_general3A_22 = tpu.matmul %get3A_17, %get3A_20, %dot_general3A_21 {dimension_numbers = #tpu.dot_dimension_numbers<[1], [1], [0], [0], [0, 0, 1, 0], [], []>, transpose_lhs_hint = false} : vector<2000x128xf32>, vector<128x128xf32>, vector<2000x128xf32> -> vector<2000x128xf32>
    %add3A_23 = arith.addf %dot_general3A_14, %dot_general3A_22 : vector<2000x128xf32>
    %get3A_24 = arith.constant 0 : index
    %get3A_25 = arith.constant 0 : index
    %get3A_26 = vector.load %arg5[%get3A_24, %get3A_25] : memref<1x128xf32, #tpu.memory_space<vmem>>, vector<1x128xf32>
    %add3A_27 = vector.broadcast %get3A_26 : vector<1x128xf32> to vector<2000x128xf32>
    %add3A_28 = arith.addf %add3A_23, %add3A_27 : vector<2000x128xf32>
    %max3A = arith.constant 0.000000e+00 : f32
    %max3A_29 = vector.broadcast %max3A : f32 to vector<2000x128xf32>
    %max3A_30 = arith.maximumf %add3A_28, %max3A_29 : vector<2000x128xf32>
    %get3A_31 = arith.constant 0 : index
    %get3A_32 = arith.constant 0 : index
    %get3A_33 = arith.constant 0 : index
    %get3A_34 = vector.load %arg7[%get3A_31, %get3A_32, %get3A_33] : memref<1x1x2000xi32, #tpu.memory_space<vmem>>, vector<1x1x2000xi32>
    %reshape3A = vector.shape_cast %get3A_34 : vector<1x1x2000xi32> to vector<1x2000xi32>
    %iota3A = tpu.iota {dimensions = array<i32: 0>} : vector<64x2000xi32>
    %eq3A_35 = vector.broadcast %reshape3A : vector<1x2000xi32> to vector<64x2000xi32>
    %eq3A_36 = arith.cmpi eq, %iota3A, %eq3A_35 : vector<64x2000xi32>
    %convert_element_type3A_37 = arith.extui %eq3A_36 : vector<64x2000xi1> to vector<64x2000xi32>
    %convert_element_type3A_38 = arith.sitofp %convert_element_type3A_37 : vector<64x2000xi32> to vector<64x2000xf32>
    %get3A_39 = arith.constant 0 : index
    %get3A_40 = arith.constant 0 : index
    %get3A_41 = vector.load %arg14[%get3A_39, %get3A_40] : memref<64x128xf32, #tpu.memory_space<vmem>>, vector<64x128xf32>
    %dot_general3A_42 = arith.constant dense<0.000000e+00> : vector<64x128xf32>
    %dot_general3A_43 = tpu.matmul %convert_element_type3A_38, %max3A_30, %dot_general3A_42 {dimension_numbers = #tpu.dot_dimension_numbers<[1], [0], [0], [1], [0, 0, 1, 1], [], []>, precision = #tpu.contract_precision<fp32>, transpose_lhs_hint = false} : vector<64x2000xf32>, vector<2000x128xf32>, vector<64x128xf32> -> vector<64x128xf32>
    %add3A_44 = arith.addf %get3A_41, %dot_general3A_43 : vector<64x128xf32>
    %swap3A = arith.constant 0 : index
    %swap3A_45 = arith.constant 0 : index
    %swap3A_46 = vector.load %arg14[%swap3A, %swap3A_45] : memref<64x128xf32, #tpu.memory_space<vmem>>, vector<64x128xf32>
    tpu.vector_store %arg14[%swap3A, %swap3A_45], %add3A_44 {strides = array<i32>} : memref<64x128xf32, #tpu.memory_space<vmem>>, vector<64x128xf32>,
    %get3A_47 = arith.constant 0 : index
    %get3A_48 = arith.constant 0 : index
    %get3A_49 = vector.load %arg15[%get3A_47, %get3A_48] : memref<64x128xf32, #tpu.memory_space<vmem>>, vector<64x128xf32>
    %reduce_sum3A = arith.constant dense<0.000000e+00> : vector<64xf32>
    %reduce_sum3A_50 = vector.multi_reduction <add>, %convert_element_type3A_38, %reduce_sum3A [1] : vector<64x2000xf32> to vector<64xf32>
    %broadcast_in_dim3A = vector.shape_cast %reduce_sum3A_50 : vector<64xf32> to vector<64x1xf32>
    %add3A_51 = vector.broadcast %broadcast_in_dim3A : vector<64x1xf32> to vector<64x128xf32>
    %add3A_52 = arith.addf %get3A_49, %add3A_51 : vector<64x128xf32>
    %swap3A_53 = arith.constant 0 : index
    %swap3A_54 = arith.constant 0 : index
    %swap3A_55 = vector.load %arg15[%swap3A_53, %swap3A_54] : memref<64x128xf32, #tpu.memory_space<vmem>>, vector<64x128xf32>
    tpu.vector_store %arg15[%swap3A_53, %swap3A_54], %add3A_52 {strides = array<i32>} : memref<64x128xf32, #tpu.memory_space<vmem>>, vector<64x128xf32>,
    %eq3A_56 = arith.constant 4 : i32
    %eq3A_57 = arith.cmpi eq, %arg0, %eq3A_56 : i32
    %convert_element_type3A_58 = arith.extui %eq3A_57 : i1 to i32
    %cond3A_59 = arith.constant 0 : i32
    %cond3A_60 = arith.cmpi ne, %convert_element_type3A_58, %cond3A_59 : i32
    scf.if %cond3A_60 {
      %get3A_61 = arith.constant 0 : index
      %get3A_62 = arith.constant 0 : index
      %get3A_63 = vector.load %arg14[%get3A_61, %get3A_62] : memref<64x128xf32, #tpu.memory_space<vmem>>, vector<64x128xf32>
      %get3A_64 = arith.constant 0 : index
      %get3A_65 = arith.constant 0 : index
      %get3A_66 = vector.load %arg15[%get3A_64, %get3A_65] : memref<64x128xf32, #tpu.memory_space<vmem>>, vector<64x128xf32>
      %max3A_67 = arith.constant 1.000000e+00 : f32
      %max3A_68 = vector.broadcast %max3A_67 : f32 to vector<64x128xf32>
      %max3A_69 = arith.maximumf %get3A_66, %max3A_68 : vector<64x128xf32>
      %div3A = arith.divf %get3A_63, %max3A_69 : vector<64x128xf32>
      %get3A_70 = arith.constant 0 : index
      %get3A_71 = arith.constant 0 : index
      %get3A_72 = vector.load %arg8[%get3A_70, %get3A_71] : memref<128x128xf32, #tpu.memory_space<vmem>>, vector<128x128xf32>
      %dot_general3A_73 = arith.constant dense<0.000000e+00> : vector<64x128xf32>
      %dot_general3A_74 = tpu.matmul %div3A, %get3A_72, %dot_general3A_73 {dimension_numbers = #tpu.dot_dimension_numbers<[1], [1], [0], [0], [0, 0, 1, 0], [], []>, transpose_lhs_hint = false} : vector<64x128xf32>, vector<128x128xf32>, vector<64x128xf32> -> vector<64x128xf32>
      %get3A_75 = arith.constant 0 : index
      %get3A_76 = arith.constant 0 : index
      %get3A_77 = vector.load %arg9[%get3A_75, %get3A_76] : memref<128x128xf32, #tpu.memory_space<vmem>>, vector<128x128xf32>
      %dot_general3A_78 = arith.constant dense<0.000000e+00> : vector<64x128xf32>
      %dot_general3A_79 = tpu.matmul %get3A_63, %get3A_77, %dot_general3A_78 {dimension_numbers = #tpu.dot_dimension_numbers<[1], [1], [0], [0], [0, 0, 1, 0], [], []>, transpose_lhs_hint = false} : vector<64x128xf32>, vector<128x128xf32>, vector<64x128xf32> -> vector<64x128xf32>
      %add3A_80 = arith.addf %dot_general3A_74, %dot_general3A_79 : vector<64x128xf32>
      %get3A_81 = arith.constant 0 : index
      %get3A_82 = arith.constant 0 : index
      %get3A_83 = vector.load %arg10[%get3A_81, %get3A_82] : memref<1x128xf32, #tpu.memory_space<vmem>>, vector<1x128xf32>
      %add3A_84 = vector.broadcast %get3A_83 : vector<1x128xf32> to vector<64x128xf32>
      %add3A_85 = arith.addf %add3A_80, %add3A_84 : vector<64x128xf32>
      %max3A_86 = arith.constant 0.000000e+00 : f32
      %max3A_87 = vector.broadcast %max3A_86 : f32 to vector<64x128xf32>
      %max3A_88 = arith.maximumf %add3A_85, %max3A_87 : vector<64x128xf32>
      %get3A_89 = arith.constant 0 : index
      %get3A_90 = arith.constant 0 : index
      %get3A_91 = vector.load %arg11[%get3A_89, %get3A_90] : memref<128x1xf32, #tpu.memory_space<vmem>>, vector<128x1xf32>
      %dot_general3A_92 = arith.constant dense<0.000000e+00> : vector<64x1xf32>
      %dot_general3A_93 = tpu.matmul %max3A_88, %get3A_91, %dot_general3A_92 {dimension_numbers = #tpu.dot_dimension_numbers<[1], [0], [0], [1], [0, 0, 1, 1], [], []>, transpose_lhs_hint = false} : vector<64x128xf32>, vector<128x1xf32>, vector<64x1xf32> -> vector<64x1xf32>
      %get3A_94 = arith.constant 0 : index
      %get3A_95 = arith.constant 0 : index
      %get3A_96 = vector.load %arg12[%get3A_94, %get3A_95] : memref<1x1xf32, #tpu.memory_space<vmem>>, vector<1x1xf32>
      %add3A_97 = vector.broadcast %get3A_96 : vector<1x1xf32> to vector<64x1xf32>
      %add3A_98 = arith.addf %dot_general3A_93, %add3A_97 : vector<64x1xf32>
      %swap3A_99 = arith.constant 0 : index
      %swap3A_100 = arith.constant 0 : index
      %swap3A_101 = vector.load %arg13[%swap3A_99, %swap3A_100] : memref<64x1xf32, #tpu.memory_space<vmem>>, vector<64x1xf32>
      tpu.vector_store %arg13[%swap3A_99, %swap3A_100], %add3A_98 {strides = array<i32>} : memref<64x1xf32, #tpu.memory_space<vmem>>, vector<64x1xf32>,
    } else {
    }
    return
  }
  func.func @transform_0(%arg0: i32) -> (i32, i32, i32) {
    %c0_i32 = arith.constant 0 : i32
    %c0_i32_0 = arith.constant 0 : i32
    %c0_i32_1 = arith.constant 0 : i32
    return %c0_i32, %arg0, %c0_i32_0 : i32, i32, i32
  }
  func.func @transform_1(%arg0: i32) -> (i32, i32, i32) {
    %c1_i32 = arith.constant 1 : i32
    %c0_i32 = arith.constant 0 : i32
    %c0_i32_0 = arith.constant 0 : i32
    return %c1_i32, %arg0, %c0_i32 : i32, i32, i32
  }
  func.func @transform_2(%arg0: i32) -> (i32, i32) {
    %c0_i32 = arith.constant 0 : i32
    %c0_i32_0 = arith.constant 0 : i32
    return %arg0, %c0_i32 : i32, i32
  }
  func.func @transform_3(%arg0: i32) -> (i32, i32) {
    %c0_i32 = arith.constant 0 : i32
    %c0_i32_0 = arith.constant 0 : i32
    %c0_i32_1 = arith.constant 0 : i32
    return %c0_i32, %c0_i32_0 : i32, i32
  }
  func.func @transform_4(%arg0: i32) -> (i32, i32) {
    %c0_i32 = arith.constant 0 : i32
    %c0_i32_0 = arith.constant 0 : i32
    %c0_i32_1 = arith.constant 0 : i32
    return %c0_i32, %c0_i32_0 : i32, i32
  }
  func.func @transform_5(%arg0: i32) -> (i32, i32) {
    %c0_i32 = arith.constant 0 : i32
    %c0_i32_0 = arith.constant 0 : i32
    %c0_i32_1 = arith.constant 0 : i32
    return %c0_i32, %c0_i32_0 : i32, i32
  }
  func.func @transform_6(%arg0: i32) -> (i32, i32, i32) {
    %c0_i32 = arith.constant 0 : i32
    %c0_i32_0 = arith.constant 0 : i32
    %c0_i32_1 = arith.constant 0 : i32
    return %arg0, %c0_i32, %c0_i32_0 : i32, i32, i32
  }
  func.func @transform_7(%arg0: i32) -> (i32, i32) {
    %c0_i32 = arith.constant 0 : i32
    %c0_i32_0 = arith.constant 0 : i32
    %c0_i32_1 = arith.constant 0 : i32
    return %c0_i32, %c0_i32_0 : i32, i32
  }
  func.func @transform_8(%arg0: i32) -> (i32, i32) {
    %c0_i32 = arith.constant 0 : i32
    %c0_i32_0 = arith.constant 0 : i32
    %c0_i32_1 = arith.constant 0 : i32
    return %c0_i32, %c0_i32_0 : i32, i32
  }
  func.func @transform_9(%arg0: i32) -> (i32, i32) {
    %c0_i32 = arith.constant 0 : i32
    %c0_i32_0 = arith.constant 0 : i32
    %c0_i32_1 = arith.constant 0 : i32
    return %c0_i32, %c0_i32_0 : i32, i32
  }
  func.func @transform_10(%arg0: i32) -> (i32, i32) {
    %c0_i32 = arith.constant 0 : i32
    %c0_i32_0 = arith.constant 0 : i32
    %c0_i32_1 = arith.constant 0 : i32
    return %c0_i32, %c0_i32_0 : i32, i32
  }
  func.func @transform_11(%arg0: i32) -> (i32, i32) {
    %c0_i32 = arith.constant 0 : i32
    %c0_i32_0 = arith.constant 0 : i32
    %c0_i32_1 = arith.constant 0 : i32
    return %c0_i32, %c0_i32_0 : i32, i32
  }
  func.func @transform_12(%arg0: i32) -> (i32, i32) {
    %c0_i32 = arith.constant 0 : i32
    %c0_i32_0 = arith.constant 0 : i32
    %c0_i32_1 = arith.constant 0 : i32
    return %c0_i32, %c0_i32_0 : i32, i32
  }
}

</mosaic_0001>

<sc_bundles>
// kernel: kernel.6.cloned.1.call-start
scs
__scs_entry_jumppad:
0x0: {  	(pc) =	sbr.rel $0x88, $3  }
0x1: {  	(tag) =	ssettag $0x0;
	lr =	simm.s32 $0x1  }
0x2: {  	[smem:$0x3F94] =	sst lr;
	_ =	strace $0xD0000000  }
0x3: {  	_ = 	snop  }
0x4: {  	_ = 	snop  }
0x5: {  	_ = 	snop  }
0x6: {  	_ = 	snop  }
0x7: {  	_ = 	snop  }
__scs_overlays_trampoline_lowered:
0x8: {  	[smem:$0x3FA3] =	sst s0  }
0x9: {  	[smem:$0x3FA4] =	sst s1  }
0xa: {  	[smem:$0x3FA5] =	sst s2  }
0xb: {  	[smem:$0x3FA6] =	sst s3  }
0xc: {  	[smem:$0x3FA7] =	sst s4  }
0xd: {  	[smem:$0x3FA8] =	sst s5  }
0xe: {  	[smem:$0x3FA9] =	sst s6  }
0xf: {  	[smem:$0x3FAA] =	sst s7  }
0x10: {  	[smem:$0x3FAB] =	sst s8  }
0x11: {  	[smem:$0x3FAC] =	sst s9;
	s0 =	simm.s32 @!p0 $0x0  }
0x12: {  	s1 =	sld [smem:$0x3F92];
	s0 =	simm.s32 @p0 $0x1  }
0x13: {  	[smem:$0x3FAD] =	sst s0;
	s0 =	simm.s32 @!p1 $0x0  }
0x14: {  	s2 =	sld [smem:$0x3F91];
	s0 =	simm.s32 @p1 $0x1  }
0x15: {  	[smem:$0x3FAE] =	sst s0;
	s0 =	simm.s32 @!p2 $0x0  }
0x16: {  	s3 =	sld [smem:$0x3FDB];
	s0 =	simm.s32 @p2 $0x1  }
0x17: {  	s4 =	simm.s32 $0x1BF5;
	[smem:$0x3FB0] =	sst s0  }
0x18: {  	s0 =	sld [smem:$0x3F93];
	_ =	swait.ge [sflag:s4], $0x0  }
0x19: {  	s7 =	sld [smem:$0x3F94]  }
0x1a: {  	s8 =	sadd.s32 $0xFFFFE003, lr  }
0x1b: {  	s9 =	sadd.s32 $0xFFFFFEF7, lr;
	s5 =	simm.s32 $0xFFFFFFFF;
	p2 =	slt.u32 s8, $0xFFFFF086  }
0x1c: {  	p1 =	slt.u32 s9, $0xF7A;
	s5 =	simm.s32 @!p2 $0x0  }
0x1d: {  	s5 =	simm.s32 @p1 $0x1;
	p0 =	seq.s32 s7, s2  }
0x1e: {  	s7 =	smul.u32 @!p0 $0xF7A, s2;
	p2 =	seq.s32 @!p0 s5, $0x0  }
0x1f: {  	s9 =	smul.u32 $0xF7A, s1;
	s8 =	simm.s32 @!p0 $0x1BF5;
	p2 =	por !p2, p0  }
0x20: {  	[sflag:s8] =	ssyncset.s32 @!p0 $0xFFFFF086;
	s6 =	sadd.s32 @!p0 s3, s7;
	s7 =	simm.s32 @!p0 $0x108  }
0x21: {  	s3 =	sadd.s32 s3, s9;
	s6 =	sadd.s32 @!p0 $0x88, s6;
	s7 =	simm.s32 @p2 $0x1082  }
0x22: {  	[simem:s7], [sflag:s8] =	dma.local @!p0 [hbm:s6], $0xF7A  }
0x23: {  	s9 =	sor.u32 $0xD0000000, s2;
	s6 =	simm.s32 $0x108;
	_ =	swait.ge @!p0 [sflag:s8], $0x0  }
0x24: {  	s3 =	sadd.s32 $0x88, s3;
	s6 =	simm.s32 @!p1 $0x1082;
	[sflag:s4] =	ssyncset.s32 $0xFFFFF086  }
0x25: {  	[simem:s6], [sflag:s4] =	dma.local [hbm:s3], $0xF7A  }
0x26: {  	[smem:$0x3F94] =	sst s1;
	(tag) =	ssettag s2;
	_ =	strace s9  }
0x27: {  	s1 =	sld [smem:$0x3FA4]  }
0x28: {  	s2 =	sld [smem:$0x3FA5]  }
0x29: {  	s4 =	sld [smem:$0x3FA7]  }
0x2a: {  	p0 =	seq.s32 s5, $0x0;
	s5 =	sld [smem:$0x3FA8]  }
0x2b: {  	s6 =	sld [smem:$0x3FA9]  }
0x2c: {  	s7 =	sld [smem:$0x3FAA]  }
0x2d: {  	s3 =	simm.s32 $0x108;
	s8 =	sld [smem:$0x3FAB]  }
0x2e: {  	s3 =	simm.s32 @!p0 $0x1082;
	s9 =	sld [smem:$0x3FAC]  }
0x2f: {  	lr =	sadd.s32 s0, s3;
	s0 =	sld [smem:$0x3FA3]  }
0x30: {  	s3 =	sld [smem:$0x3FA6]  }
0x31: {  	[smem:$0x3FAF] =	sst s10  }
0x32: {  	s10 =	sld [smem:$0x3FAD];
	_ =	sdelay $0x3  }
0x33: {  	p0 =	seq.s32 s10, $0x1;
	s10 =	sld [smem:$0x3FAF];
	_ =	sdelay $0x3  }
0x34: {  	[smem:$0x3FAF] =	sst s10  }
0x35: {  	s10 =	sld [smem:$0x3FAE];
	_ =	sdelay $0x3  }
0x36: {  	p1 =	seq.s32 s10, $0x1;
	s10 =	sld [smem:$0x3FAF];
	_ =	sdelay $0x3  }
0x37: {  	[smem:$0x3FAF] =	sst s10  }
0x38: {  	s10 =	sld [smem:$0x3FB0]  }
0x39: {  	_ = 	snop;
	(pc) =	sbr.ind lr, $3  }
0x3a: {  	_ = 	snop  }
0x3b: {  	_ = 	snop  }
0x3c: {  	p2 =	seq.s32 s10, $0x1;
	s10 =	sld [smem:$0x3FAF]  }
0x3d: {  	_ =	shalt  }
0x3e: {  	_ =	shalt  }
0x3f: {  	_ =	shalt  }
0x40: {  	_ =	shalt  }
0x41: {  	_ =	shalt  }
0x42: {  	_ =	shalt  }
0x43: {  	_ =	shalt  }
0x44: {  	_ =	shalt  }
0x45: {  	_ =	shalt  }
0x46: {  	_ =	shalt  }
0x47: {  	_ =	shalt  }
0x48: {  	_ =	shalt  }
0x49: {  	_ =	shalt  }
0x4a: {  	_ =	shalt  }
0x4b: {  	_ =	shalt  }
0x4c: {  	_ =	shalt  }
0x4d: {  	_ =	shalt  }
0x4e: {  	_ =	shalt  }
0x4f: {  	_ =	shalt  }
0x50: {  	_ =	shalt  }
0x51: {  	_ =	shalt  }
0x52: {  	_ =	shalt  }
0x53: {  	_ =	shalt  }
0x54: {  	_ =	shalt  }
0x55: {  	_ =	shalt  }
0x56: {  	_ =	shalt  }
0x57: {  	_ =	shalt  }
0x58: {  	_ =	shalt  }
0x59: {  	_ =	shalt  }
0x5a: {  	_ =	shalt  }
0x5b: {  	_ =	shalt  }
0x5c: {  	_ =	shalt  }
0x5d: {  	_ =	shalt  }
0x5e: {  	_ =	shalt  }
0x5f: {  	_ =	shalt  }
0x60: {  	_ =	shalt  }
0x61: {  	_ =	shalt  }
0x62: {  	_ =	shalt  }
0x63: {  	_ =	shalt  }
0x64: {  	_ =	shalt  }
0x65: {  	_ =	shalt  }
0x66: {  	_ =	shalt  }
0x67: {  	_ =	shalt  }
0x68: {  	_ =	shalt  }
0x69: {  	_ =	shalt  }
0x6a: {  	_ =	shalt  }
0x6b: {  	_ =	shalt  }
0x6c: {  	_ =	shalt  }
0x6d: {  	_ =	shalt  }
0x6e: {  	_ =	shalt  }
0x6f: {  	_ =	shalt  }
0x70: {  	_ =	shalt  }
0x71: {  	_ =	shalt  }
0x72: {  	_ =	shalt  }
0x73: {  	_ =	shalt  }
0x74: {  	_ =	shalt  }
0x75: {  	_ =	shalt  }
0x76: {  	_ =	shalt  }
0x77: {  	_ =	shalt  }
0x78: {  	_ =	shalt  }
0x79: {  	_ =	shalt  }
0x7a: {  	_ =	shalt  }
0x7b: {  	_ =	shalt  }
0x7c: {  	_ =	shalt  }
0x7d: {  	_ =	shalt  }
0x7e: {  	_ =	shalt  }
0x7f: {  	_ =	shalt  }
0x80: {  	_ =	shalt  }
0x81: {  	_ =	shalt  }
0x82: {  	_ =	shalt  }
0x83: {  	_ =	shalt  }
0x84: {  	_ =	shalt  }
0x85: {  	_ =	shalt  }
0x86: {  	_ =	shalt  }
0x87: {  	_ =	shalt  }
.Lfunc_end0:
.L_simem_size_0:
called_computation_lowered:
.L_overlay_start_0:
0x88: {  	s2 =	sld [smem:$0x3FD9]  }
0x89: {  	s3 =	sld [smem:$0x3FFE];
	_ =	sdelay $0x1  }
0x8a: {  	s1 =	srdreg.scid  }
0x8b: {  	s0 =	sand.u32 $0x1, s1  }
0x8c: {  	s17 =	sshll.u32 s0, $0xA;
	s2 =	sadd.s32 s3, s2  }
0x8d: {  	s2 =	sadd.s32 s2, s17  }
0x8e: {  	[smem:$0x3FBB] =	sst s2  }
0x8f: {  	_ = 	snop  }
0x90: {  	s2 =	sld [smem:$0x3FC9];
	(tm) =	ssettm $0x1  }
0x91: {  	s18 =	sld [smem:$0x3FFB];
	_ =	sdelay $0x3  }
0x92: {  	_ =	strace s18  }
0x93: {  	s3 =	sld [smem:$0x3FFC];
	_ =	sdelay $0x3  }
0x94: {  	_ =	strace s3  }
0x95: {  	s3 =	sld [smem:$0x3FFD];
	_ =	sdelay $0x3  }
0x96: {  	_ =	strace s3  }
0x97: {  	_ =	strace $0x8FFFFFFF  }
0x98: {  	s19 =	sld [smem:$0x3FDB];
	_ =	sdelay $0x1  }
0x99: {  	s4 =	simm.s32 $_scs_section_size  }
0x9a: {  	s5 =	simm.s32 $_size__tile_overlayer_lowered;
	s6 =	simm.s32 $_tile_overlayer_lowered  }
0x9b: {  	s22 =	simm.s32 $0x1BFF;
	s21 =	sshll.u32 s6, $0x1;
	s3 =	sadd.s32 s4, s19  }
0x9c: {  	s7 =	simm.s32 $0x0;
	s20 =	sshll.u32 s5, $0x1;
	s5 =	sadd.s32 s21, s3  }
0x9d: {  	[timem:s7], [sflag:s22] =	dma.local [hbm:s5], s20  }
0x9e: {  	_ =	swait.ge [sflag:s22], s20  }
0x9f: {  	s4 =	ssub.s32 $0x0, s20;
	[sflag:s22] =	ssyncset.done $0x0  }
0xa0: {  	[sflag:s22] =	ssyncadd.s32 s4;
	_ =	sdelay $0x1  }
0xa1: {  	s23 =	simm.s32 $0x1B8B  }
0xa2: {  	_ =	swait.ge [sflag:s23], $0x1  }
0xa3: {  	[sflag:s23] =	ssyncset.done $0x0  }
0xa4: {  	s25 =	simm.s32 $0x1B8E;
	s24 =	sld [smem:$0x3FFE];
	[sflag:s23] =	ssyncadd.s32 $0xFFFFFFFF  }
0xa5: {  	s26 =	simm.s32 $execute0_lowered;
	[smem:$0x3FD2] =	sst s25  }
0xa6: {  	s5 =	sshll.u32 s26, $0x1;
	_ =	strace $0x80000046;
	[dreg:$0x1] =	wrdreg $0xFFFFFFFF  }
0xa7: {  	s28 =	simm.s32 $_size_execute0_lowered;
	s3 =	sadd.s32 s3, s5;
	[dreg:$0x0] =	wrdreg $0x0  }
0xa8: {  	s5 =	sshll.u32 s28, $0x1;
	[dreg:$0x2] =	wrdreg s3  }
0xa9: {  	[dreg:$0x3] =	wrdreg s5  }
0xaa: {  	[dreg:$0x4] =	wrdreg $0xC0  }
0xab: {  	_ =	task [dreg:s7], $0x5FFFF  }
0xac: {  	[dreg:$0x1] =	wrdreg $0xFFFFFFFF  }
0xad: {  	[dreg:$0x0] =	wrdreg $0x60  }
0xae: {  	[dreg:$0x2] =	wrdreg s2  }
0xaf: {  	[dreg:$0x3] =	wrdreg s24  }
0xb0: {  	[dreg:$0x4] =	wrdreg $0xB7800  }
0xb1: {  	[dreg:$0x5] =	wrdreg $0x9  }
0xb2: {  	_ =	task.clear_ibuf [dreg:s7], $0x6FFFF;
	_ =	strace $0x90000046  }
0xb3: {  	s29 =	simm.s32 $0x9;
	_ =	strace $0x80000048  }
0xb4: {  	_ =	swait.ge [sflag:s29], $0x1  }
0xb5: {  	[sflag:s29] =	ssyncadd.s32 $0xFFFFFFFF  }
0xb6: {  	_ =	strace $0x90000048  }
0xb7: {  	_ =	sfence  }
0xb8: {  	s30 =	sld [smem:$0x0];
	_ =	sdelay $0x2  }
0xb9: {  	s31 =	sshll.u32 s1, $0xD;
	s1 =	sshrl.u32 s1, $0x2  }
0xba: {  	s3 =	sand.u32 $0x4000, s31;
	s1 =	sadd.s32 s1, s30  }
0xbb: {  	s0 =	sor.u32 s3, s0;
	s1 =	sshll.u32 s1, $0x11  }
0xbc: {  	s0 =	sor.u32 s1, s0  }
0xbd: {  	s0 =	sadd.s32 $0x8F2B, s0  }
0xbe: {  	[sflag:s0] =	ssyncadd.remote.s32 $0x1  }
0xbf: {  	_ =	sfence.sel $0xFFFF  }
0xc0: {  	[dreg:$0x0] =	wrdreg $0xFFFFFFFF;
	(pc) =	sbr.abs _section_cstart, $3  }
0xc1: {  	[dreg:$0x1] =	wrdreg $0xFFFFFFFF  }
0xc2: {  	_ =	task.clear_ibuf [dreg:s7], $0x2FFFF;
	_ =	strace $0x9FFFFFFF  }
0xc3: {  	(tm) =	ssettm $0x7FFFFFFF  }
tec
execute0_lowered:
.L_overlay_start_1:
0x0: {  	(tag) =	ssettag $0x1  }
0x1: {  	s1 =	rddreg [dreg:$0x0]  }
0x2: {  	s0 =	srdreg.scid;
	s6 =	rddreg [dreg:$0x1]  }
0x3: {  	s3 =	rddreg [dreg:$0x2];
	s4 =	simm.s32 $0x0;
	s13 =	simm.s32 $0x2780  }
0x4: {  	s16 =	simm.s32 $0x6780;
	s17 =	simm.s32 $0x1;
	s18 =	simm.s32 $0x50  }
0x5: {  	s19 =	simm.s32 $0x8F80;
	s20 =	simm.s32 $0x4;
	s21 =	simm.s32 $0x2  }
0x6: {  	s22 =	simm.s32 $0x6580;
	s5 =	sand.u32 $0x1, s0;
	s0 =	stileid.u32  }
0x7: {  	s23 =	simm.s32 $0x0;
	[smem:$0x7FF] =	sst s4;
	s30 =	smul.u32 $0x14000, s0  }
0x8: {  	s2 =	sshll.u32 s5, $0x4;
	s9 =	sshll.u32 s0, $0x7;
	s10 =	smul.u32 $0x140000, s5  }
0x9: {  	s5 =	ssub.s32 $0x2, s5;
	s31 =	smul.u32 $0x50000, s0;
	s14 =	sshll.u32 s0, $0x6  }
0xa: {  	s7 =	sor.u32 s0, s2;
	s2 =	rddreg [dreg:$0x3];
	s9 =	sand.u32 $0x380, s9  }
0xb: {  	_ =	strace $0x80000047;
	s12 =	sshrl.u32 s5, $0x1;
	s8 =	sshrl.u32 s7, $0x3  }
0xc: {  	s14 =	sor.u32 $0x1C03, s14;
	s7 =	sshll.u32 s7, $0xB;
	s8 =	smul.u32 $0x13C00, s8  }
0xd: {  	s11 =	sshrl.u32 s30, $0x3;
	s12 =	ssub.s32 s5, s12;
	s7 =	sadd.s32 s7, s6  }
0xe: {  	s11 =	sadd.s32 s11, s6;
	s8 =	sor.u32 s9, s8;
	s9 =	sadd.s32 s30, s10  }
0xf: {  	s10 =	sshrl.u32 s31, $0x2;
	s8 =	sshrl.u32 s8, $0x3;
	s9 =	sshrl.u32 s9, $0x3  }
0x10: {  	s15 =	sadd.s32 s10, s3;
	s10 =	simm.s32 $0x80;
	s8 =	sadd.s32 s8, s6  }
0x11: {  	s9 =	sadd.s32 s9, s6;
	s6 =	sadd.s32 $0x2000, s7;
	s7 =	sadd.s32 $0x1BE00, s11  }
0x12: {  	s11 =	simm.s32 $0x400;
	s15 =	sshrl.u32 s15, $0x3;
	s5 =	sadd.s32 $0x12000, s8  }
0x13: {  	s8 =	sadd.s32 $0x43E00, s9;
	s9 =	smax.u32 s12, $0x1;
	s12 =	simm.s32 $0x3  }
.LBB2_1:
0x14: {  	[tilespmem:s4], [sflag:$0x3] =	stream.strided.gather [hbm4b:s5+s10], $0x2780, s11, s10, $0x38;
	[tilespmem:$0x1F780] =	vst v63  }
0x15: {  	_ =	swait.ge [sflag:s12], $0x2780  }
0x16: {  	[sflag:s12] =	ssyncset.done $0x0  }
0x17: {  	[sflag:s12] =	ssyncadd.s32 $0xFFFFD880  }
0x18: {  	[tilespmem:s13], [sflag:$0x3] =	stream.linear.gather [hbm4b:s6+s4], $0x3E80, $0x38;
	[tilespmem:$0x1F780] =	vst v63  }
0x19: {  	_ =	swait.ge [sflag:s12], $0x3E80  }
0x1a: {  	[sflag:s12] =	ssyncset.done $0x0  }
0x1b: {  	[sflag:s12] =	ssyncadd.s32 $0xFFFFC180  }
0x1c: {  	[spmem:s15], [sflag:s14] =	dma.local [hbm:s7], $0x2800  }
0x1d: {  	_ =	swait.ge [sflag:s12], $0x2800  }
0x1e: {  	[sflag:s12] =	ssyncset.done $0x0  }
0x1f: {  	[sflag:s12] =	ssyncadd.s32 $0xFFFFD800  }
0x20: {  	[bflag:$0x0] =	sbarrier.arrive $0xFFFF  }
0x21: {  	[tilespmem:s16], [sflag:$0x1] =	stream.indirect.gather [hbm4b:s1+s18], $0x80, s4, s18, $0xb8;
	[tilespmem:$0x1F780] =	vst v63  }
0x22: {  	_ =	swait.ge [sflag:s17], $0x2800  }
0x23: {  	[sflag:s17] =	ssyncset.done $0x0  }
0x24: {  	[sflag:s17] =	ssyncadd.s32 $0xFFFFD800  }
0x25: {  	[tilespmem:s19], [sflag:$0x2] =	stream.indirect.gather [hbm4b:s1+s18], $0x80, s18, s18, $0xb8;
	[tilespmem:$0x1F780] =	vst v63  }
0x26: {  	s24 =	simm.s32 $0x2780  }
0x27: {  	[spmem:s3] =	stream.indirect.scatter.add.f32 [tilespmem:s16], [sflag:$0x4], $0x80, s24, s18, $0xb8;
	[tilespmem:$0x1F780] =	vst v63  }
0x28: {  	_ =	swait.ge [sflag:s20], $0x2800  }
0x29: {  	[sflag:s20] =	ssyncset.done $0x0  }
0x2a: {  	[sflag:s20] =	ssyncadd.s32 $0xFFFFD800  }
0x2b: {  	_ =	swait.ge [sflag:s21], $0x2800  }
0x2c: {  	[sflag:s21] =	ssyncset.done $0x0  }
0x2d: {  	s30 =	simm.s32 $0xA0;
	[sflag:s21] =	ssyncadd.s32 $0xFFFFD800  }
0x2e: {  	[tilespmem:s16], [sflag:$0x1] =	stream.indirect.gather [hbm4b:s1+s18], $0x80, s30, s18, $0xb8;
	[tilespmem:$0x1F780] =	vst v63  }
0x2f: {  	s31 =	simm.s32 $0x2800  }
0x30: {  	[spmem:s3] =	stream.indirect.scatter.add.f32 [tilespmem:s19], [sflag:$0x3], $0x80, s31, s18, $0xb8;
	[tilespmem:$0x1F780] =	vst v63  }
0x31: {  	_ =	swait.ge [sflag:s12], $0x2800  }
0x32: {  	s25 =	simm.s32 $0x50;
	s24 =	simm.s32 $0x400;
	[sflag:s12] =	ssyncset.done $0x0  }
.LBB2_2:
0x33: {  	p0 =	sne.s32 s24, $0xF400;
	[sflag:s12] =	ssyncadd.s32 $0xFFFFD800;
	s25 =	sadd.s32 $0xA0, s25  }
0x34: {  	s26 =	smov.u32 s24;
	s24 =	sadd.s32 $0x400, s24  }
0x35: {  	_ =	swait.ge [sflag:s17], $0x2800  }
0x36: {  	[sflag:s17] =	ssyncset.done $0x0  }
0x37: {  	s26 =	sshra.s32 s26, $0x2;
	[sflag:s17] =	ssyncadd.s32 $0xFFFFD800  }
0x38: {  	[tilespmem:s19], [sflag:$0x2] =	stream.indirect.gather [hbm4b:s1+s18], $0x80, s25, s18, $0xb8;
	[tilespmem:$0x1F780] =	vst v63  }
0x39: {  	s28 =	sadd.s32 $0x2780, s26  }
0x3a: {  	[spmem:s3] =	stream.indirect.scatter.add.f32 [tilespmem:s16], [sflag:$0x4], $0x80, s28, s18, $0xb8;
	[tilespmem:$0x1F780] =	vst v63  }
0x3b: {  	_ =	swait.ge [sflag:s20], $0x2800  }
0x3c: {  	[sflag:s20] =	ssyncset.done $0x0  }
0x3d: {  	[sflag:s20] =	ssyncadd.s32 $0xFFFFD800  }
0x3e: {  	_ =	swait.ge [sflag:s21], $0x2800  }
0x3f: {  	[sflag:s21] =	ssyncset.done $0x0  }
0x40: {  	s28 =	sadd.s32 $0x50, s25;
	[sflag:s21] =	ssyncadd.s32 $0xFFFFD800  }
0x41: {  	[tilespmem:s16], [sflag:$0x1] =	stream.indirect.gather [hbm4b:s1+s18], $0x80, s28, s18, $0xb8;
	[tilespmem:$0x1F780] =	vst v63  }
.Ltmp0:
0x42: {  	_ = 	snop;
	(pc) =	sbr.rel @p0 .LBB2_2-.Ltmp0, $4  }
0x43: {  	s26 =	sadd.s32 $0x2800, s26  }
0x44: {  	[spmem:s3] =	stream.indirect.scatter.add.f32 [tilespmem:s19], [sflag:$0x3], $0x80, s26, s18, $0xb8;
	[tilespmem:$0x1F780] =	vst v63  }
0x45: {  	_ =	swait.ge [sflag:s12], $0x2800  }
0x46: {  	[sflag:s12] =	ssyncset.done $0x0  }
0x47: {  	[sflag:s12] =	ssyncadd.s32 $0xFFFFD800  }
0x48: {  	_ =	swait.ge [sflag:s17], $0x2800  }
0x49: {  	[sflag:s17] =	ssyncset.done $0x0  }
0x4a: {  	[sflag:s17] =	ssyncadd.s32 $0xFFFFD800  }
0x4b: {  	[spmem:s3] =	stream.indirect.scatter.add.f32 [tilespmem:s16], [sflag:$0x4], $0x80, s22, s18, $0xb8;
	[tilespmem:$0x1F780] =	vst v63  }
0x4c: {  	_ =	swait.ge [sflag:s20], $0x2800  }
0x4d: {  	s23 =	sadd.s32 $0x1, s23;
	[sflag:s20] =	ssyncset.done $0x0  }
0x4e: {  	p0 =	sne.s32 s23, s9;
	[sflag:s20] =	ssyncadd.s32 $0xFFFFD800  }
.Ltmp1:
0x4f: {  	[bflag:$0x0] =	sbarrier.arrive $0xFFFF;
	(pc) =	sbr.rel @p0 .LBB2_1-.Ltmp1, $4  }
0x50: {  	[hbm:s8], [sflag:s14] =	dma.local [spmem:s15], $0x2800  }
0x51: {  	_ =	swait.ge [sflag:s12], $0x2800  }
0x52: {  	[sflag:s12] =	ssyncset.done $0x0  }
0x53: {  	[sflag:s12] =	ssyncadd.s32 $0xFFFFD800  }
0x54: {  	_ =	sfence.sel $0x180000  }
0x55: {  	[bflag:$0x0] =	sbarrier.arrive $0xFFFF  }
0x56: {  	p0 =	sne.s32 s0, $0x0;
	_ =	strace $0x90000047  }
0x57: {  	s0 =	sadd.s32 @!p0 $0x100000, s2;
	[bflag:$0x2] =	sbarrier.arrive $0xFFFF  }
0x58: {  	[sflag:s0] =	ssyncadd.tile.s32 @!p0 $0x1;
	_ =	shalt  }
.Lfunc_end2:
_tile_overlayer_lowered:
.L_overlay_start_2:
0x59: {  	(tag) =	ssettag $0x2  }
0x5a: {  	s0 =	rddreg [dreg:$0x0];
	s2 =	stileid.u32  }
0x5b: {  	s1 =	rddreg [dreg:$0x1];
	p0 =	sne.s32 s2, $0x0  }
0x5c: {  	s3 =	rddreg [dreg:$0x2];
	[bflag:$0x3] =	sbarrier.arrive $0xFFFF;
	s2 =	simm.s32 @!p0 $0x1C03  }
0x5d: {  	[timem:s3], [sflag:s2] =	dma.local @!p0 [hbm:s0], s1  }
0x5e: {  	s0 =	simm.s32 @!p0 $0x3  }
0x5f: {  	_ =	swait.ge @!p0 [sflag:s0], s1  }
0x60: {  	s1 =	ssub.s32 @!p0 $0x0, s1;
	[sflag:s0] =	ssyncset.done @!p0 $0x0  }
0x61: {  	[sflag:s0] =	ssyncadd.s32 @!p0 s1  }
0x62: {  	[bflag:$0x3] =	sbarrier.arrive $0xFFFF  }
0x63: {  	_ =	shalt  }

// kernel: kernel.9.cloned.1.call-start
scs
__scs_entry_jumppad:
0x0: {  	(pc) =	sbr.rel $0x88, $3  }
0x1: {  	(tag) =	ssettag $0x0;
	lr =	simm.s32 $0x1  }
0x2: {  	[smem:$0x3F94] =	sst lr;
	_ =	strace $0xD0000000  }
0x3: {  	_ = 	snop  }
0x4: {  	_ = 	snop  }
0x5: {  	_ = 	snop  }
0x6: {  	_ = 	snop  }
0x7: {  	_ = 	snop  }
__scs_overlays_trampoline_lowered:
0x8: {  	[smem:$0x3FA3] =	sst s0  }
0x9: {  	[smem:$0x3FA4] =	sst s1  }
0xa: {  	[smem:$0x3FA5] =	sst s2  }
0xb: {  	[smem:$0x3FA6] =	sst s3  }
0xc: {  	[smem:$0x3FA7] =	sst s4  }
0xd: {  	[smem:$0x3FA8] =	sst s5  }
0xe: {  	[smem:$0x3FA9] =	sst s6  }
0xf: {  	[smem:$0x3FAA] =	sst s7  }
0x10: {  	[smem:$0x3FAB] =	sst s8  }
0x11: {  	[smem:$0x3FAC] =	sst s9;
	s0 =	simm.s32 @!p0 $0x0  }
0x12: {  	s1 =	sld [smem:$0x3F92];
	s0 =	simm.s32 @p0 $0x1  }
0x13: {  	[smem:$0x3FAD] =	sst s0;
	s0 =	simm.s32 @!p1 $0x0  }
0x14: {  	s2 =	sld [smem:$0x3F91];
	s0 =	simm.s32 @p1 $0x1  }
0x15: {  	[smem:$0x3FAE] =	sst s0;
	s0 =	simm.s32 @!p2 $0x0  }
0x16: {  	s3 =	sld [smem:$0x3FDB];
	s0 =	simm.s32 @p2 $0x1  }
0x17: {  	s4 =	simm.s32 $0x1BF5;
	[smem:$0x3FB0] =	sst s0  }
0x18: {  	s0 =	sld [smem:$0x3F93];
	_ =	swait.ge [sflag:s4], $0x0  }
0x19: {  	s7 =	sld [smem:$0x3F94]  }
0x1a: {  	s8 =	sadd.s32 $0xFFFFE003, lr  }
0x1b: {  	s9 =	sadd.s32 $0xFFFFFEF7, lr;
	s5 =	simm.s32 $0xFFFFFFFF;
	p2 =	slt.u32 s8, $0xFFFFF086  }
0x1c: {  	p1 =	slt.u32 s9, $0xF7A;
	s5 =	simm.s32 @!p2 $0x0  }
0x1d: {  	s5 =	simm.s32 @p1 $0x1;
	p0 =	seq.s32 s7, s2  }
0x1e: {  	s7 =	smul.u32 @!p0 $0xF7A, s2;
	p2 =	seq.s32 @!p0 s5, $0x0  }
0x1f: {  	s9 =	smul.u32 $0xF7A, s1;
	s8 =	simm.s32 @!p0 $0x1BF5;
	p2 =	por !p2, p0  }
0x20: {  	[sflag:s8] =	ssyncset.s32 @!p0 $0xFFFFF086;
	s6 =	sadd.s32 @!p0 s3, s7;
	s7 =	simm.s32 @!p0 $0x108  }
0x21: {  	s3 =	sadd.s32 s3, s9;
	s6 =	sadd.s32 @!p0 $0x88, s6;
	s7 =	simm.s32 @p2 $0x1082  }
0x22: {  	[simem:s7], [sflag:s8] =	dma.local @!p0 [hbm:s6], $0xF7A  }
0x23: {  	s9 =	sor.u32 $0xD0000000, s2;
	s6 =	simm.s32 $0x108;
	_ =	swait.ge @!p0 [sflag:s8], $0x0  }
0x24: {  	s3 =	sadd.s32 $0x88, s3;
	s6 =	simm.s32 @!p1 $0x1082;
	[sflag:s4] =	ssyncset.s32 $0xFFFFF086  }
0x25: {  	[simem:s6], [sflag:s4] =	dma.local [hbm:s3], $0xF7A  }
0x26: {  	[smem:$0x3F94] =	sst s1;
	(tag) =	ssettag s2;
	_ =	strace s9  }
0x27: {  	s1 =	sld [smem:$0x3FA4]  }
0x28: {  	s2 =	sld [smem:$0x3FA5]  }
0x29: {  	s4 =	sld [smem:$0x3FA7]  }
0x2a: {  	p0 =	seq.s32 s5, $0x0;
	s5 =	sld [smem:$0x3FA8]  }
0x2b: {  	s6 =	sld [smem:$0x3FA9]  }
0x2c: {  	s7 =	sld [smem:$0x3FAA]  }
0x2d: {  	s3 =	simm.s32 $0x108;
	s8 =	sld [smem:$0x3FAB]  }
0x2e: {  	s3 =	simm.s32 @!p0 $0x1082;
	s9 =	sld [smem:$0x3FAC]  }
0x2f: {  	lr =	sadd.s32 s0, s3;
	s0 =	sld [smem:$0x3FA3]  }
0x30: {  	s3 =	sld [smem:$0x3FA6]  }
0x31: {  	[smem:$0x3FAF] =	sst s10  }
0x32: {  	s10 =	sld [smem:$0x3FAD];
	_ =	sdelay $0x3  }
0x33: {  	p0 =	seq.s32 s10, $0x1;
	s10 =	sld [smem:$0x3FAF];
	_ =	sdelay $0x3  }
0x34: {  	[smem:$0x3FAF] =	sst s10  }
0x35: {  	s10 =	sld [smem:$0x3FAE];
	_ =	sdelay $0x3  }
0x36: {  	p1 =	seq.s32 s10, $0x1;
	s10 =	sld [smem:$0x3FAF];
	_ =	sdelay $0x3  }
0x37: {  	[smem:$0x3FAF] =	sst s10  }
0x38: {  	s10 =	sld [smem:$0x3FB0]  }
0x39: {  	_ = 	snop;
	(pc) =	sbr.ind lr, $3  }
0x3a: {  	_ = 	snop  }
0x3b: {  	_ = 	snop  }
0x3c: {  	p2 =	seq.s32 s10, $0x1;
	s10 =	sld [smem:$0x3FAF]  }
0x3d: {  	_ =	shalt  }
0x3e: {  	_ =	shalt  }
0x3f: {  	_ =	shalt  }
0x40: {  	_ =	shalt  }
0x41: {  	_ =	shalt  }
0x42: {  	_ =	shalt  }
0x43: {  	_ =	shalt  }
0x44: {  	_ =	shalt  }
0x45: {  	_ =	shalt  }
0x46: {  	_ =	shalt  }
0x47: {  	_ =	shalt  }
0x48: {  	_ =	shalt  }
0x49: {  	_ =	shalt  }
0x4a: {  	_ =	shalt  }
0x4b: {  	_ =	shalt  }
0x4c: {  	_ =	shalt  }
0x4d: {  	_ =	shalt  }
0x4e: {  	_ =	shalt  }
0x4f: {  	_ =	shalt  }
0x50: {  	_ =	shalt  }
0x51: {  	_ =	shalt  }
0x52: {  	_ =	shalt  }
0x53: {  	_ =	shalt  }
0x54: {  	_ =	shalt  }
0x55: {  	_ =	shalt  }
0x56: {  	_ =	shalt  }
0x57: {  	_ =	shalt  }
0x58: {  	_ =	shalt  }
0x59: {  	_ =	shalt  }
0x5a: {  	_ =	shalt  }
0x5b: {  	_ =	shalt  }
0x5c: {  	_ =	shalt  }
0x5d: {  	_ =	shalt  }
0x5e: {  	_ =	shalt  }
0x5f: {  	_ =	shalt  }
0x60: {  	_ =	shalt  }
0x61: {  	_ =	shalt  }
0x62: {  	_ =	shalt  }
0x63: {  	_ =	shalt  }
0x64: {  	_ =	shalt  }
0x65: {  	_ =	shalt  }
0x66: {  	_ =	shalt  }
0x67: {  	_ =	shalt  }
0x68: {  	_ =	shalt  }
0x69: {  	_ =	shalt  }
0x6a: {  	_ =	shalt  }
0x6b: {  	_ =	shalt  }
0x6c: {  	_ =	shalt  }
0x6d: {  	_ =	shalt  }
0x6e: {  	_ =	shalt  }
0x6f: {  	_ =	shalt  }
0x70: {  	_ =	shalt  }
0x71: {  	_ =	shalt  }
0x72: {  	_ =	shalt  }
0x73: {  	_ =	shalt  }
0x74: {  	_ =	shalt  }
0x75: {  	_ =	shalt  }
0x76: {  	_ =	shalt  }
0x77: {  	_ =	shalt  }
0x78: {  	_ =	shalt  }
0x79: {  	_ =	shalt  }
0x7a: {  	_ =	shalt  }
0x7b: {  	_ =	shalt  }
0x7c: {  	_ =	shalt  }
0x7d: {  	_ =	shalt  }
0x7e: {  	_ =	shalt  }
0x7f: {  	_ =	shalt  }
0x80: {  	_ =	shalt  }
0x81: {  	_ =	shalt  }
0x82: {  	_ =	shalt  }
0x83: {  	_ =	shalt  }
0x84: {  	_ =	shalt  }
0x85: {  	_ =	shalt  }
0x86: {  	_ =	shalt  }
0x87: {  	_ =	shalt  }
.Lfunc_end0:
.L_simem_size_0:
called_computation.1_lowered:
.L_overlay_start_0:
0x88: {  	s2 =	sld [smem:$0x3FD9]  }
0x89: {  	s3 =	sld [smem:$0x3FFE];
	_ =	sdelay $0x1  }
0x8a: {  	s1 =	srdreg.scid  }
0x8b: {  	s0 =	sand.u32 $0x1, s1  }
0x8c: {  	s16 =	sshll.u32 s0, $0xA;
	s2 =	sadd.s32 s3, s2  }
0x8d: {  	s2 =	sadd.s32 s2, s16  }
0x8e: {  	[smem:$0x3FBB] =	sst s2  }
0x8f: {  	_ = 	snop  }
0x90: {  	(tm) =	ssettm $0x1  }
0x91: {  	s17 =	sld [smem:$0x3FFB];
	_ =	sdelay $0x3  }
0x92: {  	_ =	strace s17  }
0x93: {  	s2 =	sld [smem:$0x3FFC];
	_ =	sdelay $0x3  }
0x94: {  	_ =	strace s2  }
0x95: {  	s2 =	sld [smem:$0x3FFD];
	_ =	sdelay $0x3  }
0x96: {  	_ =	strace s2  }
0x97: {  	_ =	strace $0x8FFFFFFF  }
0x98: {  	s18 =	sld [smem:$0x3FDB];
	_ =	sdelay $0x1  }
0x99: {  	s19 =	simm.s32 $_scs_section_size  }
0x9a: {  	s4 =	simm.s32 $_size__tile_overlayer_lowered;
	s5 =	simm.s32 $_tile_overlayer_lowered  }
0x9b: {  	s22 =	simm.s32 $0x1BFF;
	s21 =	sshll.u32 s5, $0x1;
	s2 =	sadd.s32 s19, s18  }
0x9c: {  	s6 =	simm.s32 $0x0;
	s20 =	sshll.u32 s4, $0x1;
	s4 =	sadd.s32 s21, s2  }
0x9d: {  	[timem:s6], [sflag:s22] =	dma.local [hbm:s4], s20  }
0x9e: {  	_ =	swait.ge [sflag:s22], s20  }
0x9f: {  	s3 =	ssub.s32 $0x0, s20;
	[sflag:s22] =	ssyncset.done $0x0  }
0xa0: {  	[sflag:s22] =	ssyncadd.s32 s3;
	_ =	sdelay $0x1  }
0xa1: {  	s23 =	simm.s32 $0x1B8B  }
0xa2: {  	_ =	swait.ge [sflag:s23], $0x1  }
0xa3: {  	[sflag:s23] =	ssyncset.done $0x0  }
0xa4: {  	s25 =	simm.s32 $0x1B8E;
	s24 =	sld [smem:$0x3FFE];
	[sflag:s23] =	ssyncadd.s32 $0xFFFFFFFF  }
0xa5: {  	s26 =	simm.s32 $execute0_lowered;
	[smem:$0x3FD2] =	sst s25  }
0xa6: {  	s4 =	sshll.u32 s26, $0x1;
	_ =	strace $0x80000049;
	[dreg:$0x1] =	wrdreg $0xFFFFFFFF  }
0xa7: {  	s28 =	simm.s32 $_size_execute0_lowered;
	s2 =	sadd.s32 s2, s4;
	[dreg:$0x0] =	wrdreg $0x0  }
0xa8: {  	s4 =	sshll.u32 s28, $0x1;
	[dreg:$0x2] =	wrdreg s2  }
0xa9: {  	[dreg:$0x3] =	wrdreg s4  }
0xaa: {  	[dreg:$0x4] =	wrdreg $0xC0  }
0xab: {  	_ =	task [dreg:s6], $0x5FFFF  }
0xac: {  	[dreg:$0x1] =	wrdreg $0xFFFFFFFF  }
0xad: {  	[dreg:$0x0] =	wrdreg $0x60  }
0xae: {  	[dreg:$0x2] =	wrdreg s24  }
0xaf: {  	[dreg:$0x3] =	wrdreg $0xB7800  }
0xb0: {  	[dreg:$0x4] =	wrdreg $0x9  }
0xb1: {  	_ =	task.clear_ibuf [dreg:s6], $0x5FFFF;
	_ =	strace $0x90000049  }
0xb2: {  	s29 =	simm.s32 $0x9;
	_ =	strace $0x8000004B  }
0xb3: {  	_ =	swait.ge [sflag:s29], $0x1  }
0xb4: {  	[sflag:s29] =	ssyncadd.s32 $0xFFFFFFFF  }
0xb5: {  	_ =	strace $0x9000004B  }
0xb6: {  	_ =	sfence  }
0xb7: {  	s30 =	sld [smem:$0x0];
	_ =	sdelay $0x2  }
0xb8: {  	s31 =	sshll.u32 s1, $0xD;
	s1 =	sshrl.u32 s1, $0x2  }
0xb9: {  	s3 =	sand.u32 $0x4000, s31;
	s1 =	sadd.s32 s1, s30  }
0xba: {  	s0 =	sor.u32 s3, s0;
	s1 =	sshll.u32 s1, $0x11  }
0xbb: {  	s0 =	sor.u32 s1, s0  }
0xbc: {  	s0 =	sadd.s32 $0x8F2B, s0  }
0xbd: {  	[sflag:s0] =	ssyncadd.remote.s32 $0x1  }
0xbe: {  	_ =	sfence.sel $0xFFFF  }
0xbf: {  	[dreg:$0x0] =	wrdreg $0xFFFFFFFF;
	(pc) =	sbr.abs _section_cstart, $3  }
0xc0: {  	[dreg:$0x1] =	wrdreg $0xFFFFFFFF  }
0xc1: {  	_ =	task.clear_ibuf [dreg:s6], $0x2FFFF;
	_ =	strace $0x9FFFFFFF  }
0xc2: {  	(tm) =	ssettm $0x7FFFFFFF  }
0xc3: {  	_ =	shalt  }
tec
execute0_lowered:
.L_overlay_start_1:
0x0: {  	(tag) =	ssettag $0x1  }
0x1: {  	s6 =	rddreg [dreg:$0x0]  }
0x2: {  	s0 =	srdreg.scid;
	s2 =	rddreg [dreg:$0x1]  }
0x3: {  	s3 =	simm.s32 $0x0;
	s13 =	simm.s32 $0x2780;
	s16 =	simm.s32 $0x6780  }
0x4: {  	s17 =	simm.s32 $0x1;
	s18 =	simm.s32 $0x50;
	s19 =	simm.s32 $0x8F80  }
0x5: {  	s20 =	simm.s32 $0x4;
	s21 =	simm.s32 $0x2;
	s22 =	simm.s32 $0x6580  }
0x6: {  	s23 =	simm.s32 $0x0;
	s5 =	sand.u32 $0x1, s0;
	s0 =	stileid.u32  }
0x7: {  	[smem:$0x7FF] =	sst s3;
	s1 =	sshll.u32 s5, $0x4;
	s30 =	smul.u32 $0x14000, s0  }
0x8: {  	s29 =	sshll.u32 s0, $0x7;
	s10 =	smul.u32 $0x140000, s5;
	s5 =	ssub.s32 $0x2, s5  }
0x9: {  	s31 =	smul.u32 $0x50000, s0;
	s14 =	sshll.u32 s0, $0x6;
	s7 =	sor.u32 s0, s1  }
0xa: {  	s1 =	rddreg [dreg:$0x2];
	_ =	strace $0x8000004A;
	s9 =	sand.u32 $0x380, s29  }
0xb: {  	s12 =	sshrl.u32 s5, $0x1;
	s14 =	sor.u32 $0x1C03, s14;
	s4 =	sshrl.u32 s7, $0x3  }
0xc: {  	s7 =	sshll.u32 s7, $0xB;
	s11 =	sshrl.u32 s30, $0x3;
	s8 =	smul.u32 $0x13C00, s4  }
0xd: {  	s12 =	ssub.s32 s5, s12;
	s4 =	sadd.s32 $0x43E00, s6;
	s7 =	sadd.s32 s7, s6  }
0xe: {  	s11 =	sadd.s32 s11, s6;
	s8 =	sor.u32 s9, s8;
	s9 =	sadd.s32 s30, s10  }
0xf: {  	s10 =	sshrl.u32 s31, $0x2;
	s8 =	sshrl.u32 s8, $0x3;
	s9 =	sshrl.u32 s9, $0x3  }
0x10: {  	s15 =	sadd.s32 s10, s2;
	s10 =	simm.s32 $0x80;
	s8 =	sadd.s32 s8, s6  }
0x11: {  	s9 =	sadd.s32 s9, s6;
	s6 =	sadd.s32 $0x2000, s7;
	s7 =	sadd.s32 $0x1BE00, s11  }
0x12: {  	s11 =	simm.s32 $0x400;
	s15 =	sshrl.u32 s15, $0x3;
	s5 =	sadd.s32 $0x12000, s8  }
0x13: {  	s8 =	sadd.s32 $0x6B000, s9;
	s9 =	smax.u32 s12, $0x1;
	s12 =	simm.s32 $0x3  }
.LBB2_1:
0x14: {  	[tilespmem:s3], [sflag:$0x3] =	stream.strided.gather [hbm4b:s5+s10], $0x2780, s11, s10, $0x38;
	[tilespmem:$0x1F780] =	vst v63  }
0x15: {  	_ =	swait.ge [sflag:s12], $0x2780  }
0x16: {  	[sflag:s12] =	ssyncset.done $0x0  }
0x17: {  	[sflag:s12] =	ssyncadd.s32 $0xFFFFD880  }
0x18: {  	[tilespmem:s13], [sflag:$0x3] =	stream.linear.gather [hbm4b:s6+s3], $0x3E80, $0x38;
	[tilespmem:$0x1F780] =	vst v63  }
0x19: {  	_ =	swait.ge [sflag:s12], $0x3E80  }
0x1a: {  	[sflag:s12] =	ssyncset.done $0x0  }
0x1b: {  	[sflag:s12] =	ssyncadd.s32 $0xFFFFC180  }
0x1c: {  	[spmem:s15], [sflag:s14] =	dma.local [hbm:s7], $0x2800  }
0x1d: {  	_ =	swait.ge [sflag:s12], $0x2800  }
0x1e: {  	[sflag:s12] =	ssyncset.done $0x0  }
0x1f: {  	[sflag:s12] =	ssyncadd.s32 $0xFFFFD800  }
0x20: {  	[bflag:$0x0] =	sbarrier.arrive $0xFFFF  }
0x21: {  	[tilespmem:s16], [sflag:$0x1] =	stream.indirect.gather [hbm4b:s4+s18], $0x80, s3, s18, $0xb8;
	[tilespmem:$0x1F780] =	vst v63  }
0x22: {  	_ =	swait.ge [sflag:s17], $0x2800  }
0x23: {  	[sflag:s17] =	ssyncset.done $0x0  }
0x24: {  	[sflag:s17] =	ssyncadd.s32 $0xFFFFD800  }
0x25: {  	[tilespmem:s19], [sflag:$0x2] =	stream.indirect.gather [hbm4b:s4+s18], $0x80, s18, s18, $0xb8;
	[tilespmem:$0x1F780] =	vst v63  }
0x26: {  	s24 =	simm.s32 $0x2780  }
0x27: {  	[spmem:s2] =	stream.indirect.scatter.add.f32 [tilespmem:s16], [sflag:$0x4], $0x80, s24, s18, $0xb8;
	[tilespmem:$0x1F780] =	vst v63  }
0x28: {  	_ =	swait.ge [sflag:s20], $0x2800  }
0x29: {  	[sflag:s20] =	ssyncset.done $0x0  }
0x2a: {  	[sflag:s20] =	ssyncadd.s32 $0xFFFFD800  }
0x2b: {  	_ =	swait.ge [sflag:s21], $0x2800  }
0x2c: {  	[sflag:s21] =	ssyncset.done $0x0  }
0x2d: {  	s30 =	simm.s32 $0xA0;
	[sflag:s21] =	ssyncadd.s32 $0xFFFFD800  }
0x2e: {  	[tilespmem:s16], [sflag:$0x1] =	stream.indirect.gather [hbm4b:s4+s18], $0x80, s30, s18, $0xb8;
	[tilespmem:$0x1F780] =	vst v63  }
0x2f: {  	s31 =	simm.s32 $0x2800  }
0x30: {  	[spmem:s2] =	stream.indirect.scatter.add.f32 [tilespmem:s19], [sflag:$0x3], $0x80, s31, s18, $0xb8;
	[tilespmem:$0x1F780] =	vst v63  }
0x31: {  	_ =	swait.ge [sflag:s12], $0x2800  }
0x32: {  	s25 =	simm.s32 $0x50;
	s24 =	simm.s32 $0x400;
	[sflag:s12] =	ssyncset.done $0x0  }
.LBB2_2:
0x33: {  	p0 =	sne.s32 s24, $0xF400;
	[sflag:s12] =	ssyncadd.s32 $0xFFFFD800;
	s25 =	sadd.s32 $0xA0, s25  }
0x34: {  	s26 =	smov.u32 s24;
	s24 =	sadd.s32 $0x400, s24  }
0x35: {  	_ =	swait.ge [sflag:s17], $0x2800  }
0x36: {  	[sflag:s17] =	ssyncset.done $0x0  }
0x37: {  	s26 =	sshra.s32 s26, $0x2;
	[sflag:s17] =	ssyncadd.s32 $0xFFFFD800  }
0x38: {  	[tilespmem:s19], [sflag:$0x2] =	stream.indirect.gather [hbm4b:s4+s18], $0x80, s25, s18, $0xb8;
	[tilespmem:$0x1F780] =	vst v63  }
0x39: {  	s28 =	sadd.s32 $0x2780, s26  }
0x3a: {  	[spmem:s2] =	stream.indirect.scatter.add.f32 [tilespmem:s16], [sflag:$0x4], $0x80, s28, s18, $0xb8;
	[tilespmem:$0x1F780] =	vst v63  }
0x3b: {  	_ =	swait.ge [sflag:s20], $0x2800  }
0x3c: {  	[sflag:s20] =	ssyncset.done $0x0  }
0x3d: {  	[sflag:s20] =	ssyncadd.s32 $0xFFFFD800  }
0x3e: {  	_ =	swait.ge [sflag:s21], $0x2800  }
0x3f: {  	[sflag:s21] =	ssyncset.done $0x0  }
0x40: {  	s28 =	sadd.s32 $0x50, s25;
	[sflag:s21] =	ssyncadd.s32 $0xFFFFD800  }
0x41: {  	[tilespmem:s16], [sflag:$0x1] =	stream.indirect.gather [hbm4b:s4+s18], $0x80, s28, s18, $0xb8;
	[tilespmem:$0x1F780] =	vst v63  }
.Ltmp0:
0x42: {  	_ = 	snop;
	(pc) =	sbr.rel @p0 .LBB2_2-.Ltmp0, $4  }
0x43: {  	s26 =	sadd.s32 $0x2800, s26  }
0x44: {  	[spmem:s2] =	stream.indirect.scatter.add.f32 [tilespmem:s19], [sflag:$0x3], $0x80, s26, s18, $0xb8;
	[tilespmem:$0x1F780] =	vst v63  }
0x45: {  	_ =	swait.ge [sflag:s12], $0x2800  }
0x46: {  	[sflag:s12] =	ssyncset.done $0x0  }
0x47: {  	[sflag:s12] =	ssyncadd.s32 $0xFFFFD800  }
0x48: {  	_ =	swait.ge [sflag:s17], $0x2800  }
0x49: {  	[sflag:s17] =	ssyncset.done $0x0  }
0x4a: {  	[sflag:s17] =	ssyncadd.s32 $0xFFFFD800  }
0x4b: {  	[spmem:s2] =	stream.indirect.scatter.add.f32 [tilespmem:s16], [sflag:$0x4], $0x80, s22, s18, $0xb8;
	[tilespmem:$0x1F780] =	vst v63  }
0x4c: {  	_ =	swait.ge [sflag:s20], $0x2800  }
0x4d: {  	s23 =	sadd.s32 $0x1, s23;
	[sflag:s20] =	ssyncset.done $0x0  }
0x4e: {  	p0 =	sne.s32 s23, s9;
	[sflag:s20] =	ssyncadd.s32 $0xFFFFD800  }
.Ltmp1:
0x4f: {  	[bflag:$0x0] =	sbarrier.arrive $0xFFFF;
	(pc) =	sbr.rel @p0 .LBB2_1-.Ltmp1, $4  }
0x50: {  	[hbm:s8], [sflag:s14] =	dma.local [spmem:s15], $0x2800  }
0x51: {  	_ =	swait.ge [sflag:s12], $0x2800  }
0x52: {  	[sflag:s12] =	ssyncset.done $0x0  }
0x53: {  	[sflag:s12] =	ssyncadd.s32 $0xFFFFD800  }
0x54: {  	_ =	sfence.sel $0x180000  }
0x55: {  	[bflag:$0x0] =	sbarrier.arrive $0xFFFF  }
0x56: {  	p0 =	sne.s32 s0, $0x0;
	_ =	strace $0x9000004A  }
0x57: {  	s0 =	sadd.s32 @!p0 $0x100000, s1;
	[bflag:$0x2] =	sbarrier.arrive $0xFFFF  }
0x58: {  	[sflag:s0] =	ssyncadd.tile.s32 @!p0 $0x1;
	_ =	shalt  }
.Lfunc_end2:
_tile_overlayer_lowered:
.L_overlay_start_2:
0x59: {  	(tag) =	ssettag $0x2  }
0x5a: {  	s0 =	rddreg [dreg:$0x0];
	s2 =	stileid.u32  }
0x5b: {  	s1 =	rddreg [dreg:$0x1];
	p0 =	sne.s32 s2, $0x0  }
0x5c: {  	s3 =	rddreg [dreg:$0x2];
	[bflag:$0x3] =	sbarrier.arrive $0xFFFF;
	s2 =	simm.s32 @!p0 $0x1C03  }
0x5d: {  	[timem:s3], [sflag:s2] =	dma.local @!p0 [hbm:s0], s1  }
0x5e: {  	s0 =	simm.s32 @!p0 $0x3  }
0x5f: {  	_ =	swait.ge @!p0 [sflag:s0], s1  }
0x60: {  	s1 =	ssub.s32 @!p0 $0x0, s1;
	[sflag:s0] =	ssyncset.done @!p0 $0x0  }
0x61: {  	[sflag:s0] =	ssyncadd.s32 @!p0 s1  }
0x62: {  	[bflag:$0x3] =	sbarrier.arrive $0xFFFF  }
0x63: {  	_ =	shalt  }

</sc_bundles>
